<compile_context>
chip_gen: v7x
topology: tpu7x:2x2x1
jax: 0.10.2.dev20260603
libtpu: 0.0.44.dev20260713+nightly
codegen_flags: <defaults>
</compile_context>

<pallas_src>
import jax
import jax.numpy as jnp
from jax import lax
from jax.experimental import pallas as pl
from jax.experimental.pallas import tpu as pltpu
from jax.experimental.pallas import tpu_sc as plsc

N_ROWS = 8192
N_CH = 2048
NUM_CORES = 2
NUM_SUBCORES = 16
NUM_WORKERS = NUM_CORES * NUM_SUBCORES
ROWS_PER_WORKER = N_ROWS // NUM_WORKERS
RB = 8
NUM_BLOCKS = ROWS_PER_WORKER // RB
LANES = 16
CHUNKS = N_CH // LANES


def _body(x_hbm, perm_hbm, out_hbm, perm_v, in0, in1, in2, out0, out1, out2,
          sin0, sin1, sin2, sout0, sout1, sout2):
    wid = lax.axis_index("s") * NUM_CORES + lax.axis_index("c")
    base = wid * ROWS_PER_WORKER

    ins = [in0, in1, in2]
    outs = [out0, out1, out2]
    sins = [sin0, sin1, sin2]
    souts = [sout0, sout1, sout2]

    pltpu.sync_copy(perm_hbm, perm_v)

    def in_start(b, k):
        pltpu.async_copy(x_hbm.at[pl.ds(base + b * RB, RB)], ins[k], sins[k])

    def in_wait(k):
        pltpu.make_async_copy(x_hbm.at[pl.ds(base, RB)], ins[k], sins[k]).wait()

    def out_start(b, k):
        pltpu.async_copy(outs[k], out_hbm.at[pl.ds(base + b * RB, RB)], souts[k])

    def out_wait(k):
        pltpu.make_async_copy(outs[k], out_hbm.at[pl.ds(base, RB)], souts[k]).wait()

    ridxs = [jnp.full((LANES,), r, jnp.int32) for r in range(RB)]

    def permute_block(in_buf, out_buf):
        @plsc.parallel_loop(0, N_CH, LANES, unroll=4)
        def _chunk(col):
            pc = perm_v[pl.ds(col, LANES)]
            for r in range(RB):
                v = plsc.load_gather(in_buf, [ridxs[r], pc])
                out_buf[r, pl.ds(col, LANES)] = v

    in_start(0, 0)
    in_start(1, 1)

    def outer(bb, _):
        for k in range(3):
            b = bb * 3 + k

            @pl.when(b + 2 < NUM_BLOCKS)
            def _():
                in_start(b + 2, (k + 2) % 3)

            in_wait(k)

            @pl.when(b >= 3)
            def _():
                out_wait(k)

            permute_block(ins[k], outs[k])
            out_start(b, k)
        return 0

    lax.fori_loop(0, NUM_BLOCKS // 3, outer, 0)

    for b, k in ((30, 0), (31, 1)):
        in_wait(k)
        out_wait(k)
        permute_block(ins[k], outs[k])
        out_start(b, k)
    out_wait(2)
    out_wait(0)
    out_wait(1)


@jax.jit
def kernel(x, perm):
    mesh = plsc.VectorSubcoreMesh(core_axis_name="c", subcore_axis_name="s")
    return pl.kernel(
        _body,
        out_type=jax.ShapeDtypeStruct((N_ROWS, N_CH), jnp.float32),
        mesh=mesh,
        compiler_params=pltpu.CompilerParams(needs_layout_passes=False),
        scratch_types=[
            pltpu.VMEM((N_CH,), jnp.int32),
            pltpu.VMEM((RB, N_CH), jnp.float32),
            pltpu.VMEM((RB, N_CH), jnp.float32),
            pltpu.VMEM((RB, N_CH), jnp.float32),
            pltpu.VMEM((RB, N_CH), jnp.float32),
            pltpu.VMEM((RB, N_CH), jnp.float32),
            pltpu.VMEM((RB, N_CH), jnp.float32),
            pltpu.SemaphoreType.DMA,
            pltpu.SemaphoreType.DMA,
            pltpu.SemaphoreType.DMA,
            pltpu.SemaphoreType.DMA,
            pltpu.SemaphoreType.DMA,
            pltpu.SemaphoreType.DMA,
        ],
    )(x, perm)

# --- scband reference (transcript-rebuilt; emitter-appended) ---
"""Pipeline reference for scband-permutation-layer-69483980915010 (READ-ONLY COPY).

The authoritative reference and input builder live on the scoring server;
editing this copy changes nothing except your own understanding.
"""

import jax, jax.numpy as jnp
import numpy as np

N_CHANNELS = 2048
N_ROWS = 8192

def setup_inputs(seed: int = 0) -> dict:
    key = jax.random.key(seed)
    x = jax.random.normal(key, (N_ROWS, N_CHANNELS), dtype=jnp.float32)
    # buffer created in __init__ via torch.randperm(n_channels); fixed seed for reproducibility
    perm = jnp.asarray(np.random.RandomState(0).permutation(N_CHANNELS), dtype=jnp.int32)
    return {"x": x, "perm": perm}

def reference(x, perm):
    # forward: x[:, self.perm] -- pure gather along channel axis
    return jnp.take(x, perm, axis=1)

if __name__ == "__main__":
    import jax
    _d = setup_inputs()
    print(jax.jit(kernel)(*tuple(_d.values())))

</pallas_src>

<mosaic_0001>
#map = affine_map<(d0, d1) -> (0, 0)>
#map1 = affine_map<(d0, d1) -> (0)>
module attributes {stable_mosaic.version = 14 : i64} {
  func.func @_body(%arg0: i32, %arg1: i32, %arg2: memref<8192x2048xf32, #tpu.memory_space<hbm>>, %arg3: memref<2048xi32, #tpu.memory_space<hbm>>, %arg4: memref<8192x2048xf32, #tpu.memory_space<hbm>>, %arg5: memref<2048xi32, #tpu.memory_space<vmem>>, %arg6: memref<8x2048xf32, #tpu.memory_space<vmem>>, %arg7: memref<8x2048xf32, #tpu.memory_space<vmem>>, %arg8: memref<8x2048xf32, #tpu.memory_space<vmem>>, %arg9: memref<8x2048xf32, #tpu.memory_space<vmem>>, %arg10: memref<8x2048xf32, #tpu.memory_space<vmem>>, %arg11: memref<8x2048xf32, #tpu.memory_space<vmem>>, %arg12: memref<!tpu.dma_semaphore, #tpu.memory_space<semaphore_mem>>, %arg13: memref<!tpu.dma_semaphore, #tpu.memory_space<semaphore_mem>>, %arg14: memref<!tpu.dma_semaphore, #tpu.memory_space<semaphore_mem>>, %arg15: memref<!tpu.dma_semaphore, #tpu.memory_space<semaphore_mem>>, %arg16: memref<!tpu.dma_semaphore, #tpu.memory_space<semaphore_mem>>, %arg17: memref<!tpu.dma_semaphore, #tpu.memory_space<semaphore_mem>>) attributes {dimension_semantics = [#tpu.dimension_semantics<core_parallel>, #tpu.dimension_semantics<subcore_parallel>], iteration_bounds = array<i64: 2, 16>, scalar_prefetch = 0 : i64, scratch_operands = 13 : i64, tpu.core_type = #tpu.core_type<sc_vector_subcore>, window_params = [{transform_indices = #map}, {transform_indices = #map1}, {transform_indices = #map}]} {
    %mul3A = arith.constant 2 : i32
    %mul3A_0 = arith.muli %arg1, %mul3A : i32
    %add3A = arith.addi %mul3A_0, %arg0 : i32
    %mul3A_1 = arith.constant 256 : i32
    %mul3A_2 = arith.muli %add3A, %mul3A_1 : i32
    "tpu.region"() ({
      %run_scoped3A = tpu.sem_alloc : memref<!tpu.dma_semaphore, #tpu.memory_space<semaphore_mem>>
      tpu.enqueue_dma source(%arg3 : memref<2048xi32, #tpu.memory_space<hbm>>) target(%arg5 : memref<2048xi32, #tpu.memory_space<vmem>>) target_semaphore(%run_scoped3A : memref<!tpu.dma_semaphore, #tpu.memory_space<semaphore_mem>>)
      tpu.wait_dma2 semaphore(%run_scoped3A : memref<!tpu.dma_semaphore, #tpu.memory_space<semaphore_mem>>) src(%arg3 : memref<2048xi32, #tpu.memory_space<hbm>>) dst(%arg5 : memref<2048xi32, #tpu.memory_space<vmem>>)
      tpu.yield
    }) : () -> ()
    %broadcast_in_dim3A = arith.constant 0 : i32
    %broadcast_in_dim3A_3 = vector.broadcast %broadcast_in_dim3A : i32 to vector<16xi32>
    %broadcast_in_dim3A_4 = arith.constant 1 : i32
    %broadcast_in_dim3A_5 = vector.broadcast %broadcast_in_dim3A_4 : i32 to vector<16xi32>
    %broadcast_in_dim3A_6 = arith.constant 2 : i32
    %broadcast_in_dim3A_7 = vector.broadcast %broadcast_in_dim3A_6 : i32 to vector<16xi32>
    %broadcast_in_dim3A_8 = arith.constant 3 : i32
    %broadcast_in_dim3A_9 = vector.broadcast %broadcast_in_dim3A_8 : i32 to vector<16xi32>
    %broadcast_in_dim3A_10 = arith.constant 4 : i32
    %broadcast_in_dim3A_11 = vector.broadcast %broadcast_in_dim3A_10 : i32 to vector<16xi32>
    %broadcast_in_dim3A_12 = arith.constant 5 : i32
    %broadcast_in_dim3A_13 = vector.broadcast %broadcast_in_dim3A_12 : i32 to vector<16xi32>
    %broadcast_in_dim3A_14 = arith.constant 6 : i32
    %broadcast_in_dim3A_15 = vector.broadcast %broadcast_in_dim3A_14 : i32 to vector<16xi32>
    %broadcast_in_dim3A_16 = arith.constant 7 : i32
    %broadcast_in_dim3A_17 = vector.broadcast %broadcast_in_dim3A_16 : i32 to vector<16xi32>
    %add3A_18 = arith.constant 0 : i32
    %add3A_19 = arith.addi %mul3A_2, %add3A_18 : i32
    %dma_start3A = arith.constant 0 : i32
    %dma_start3A_20 = tpu.memref_slice %arg2[%add3A_19, %dma_start3A] : memref<8192x2048xf32, #tpu.memory_space<hbm>> -> memref<8x2048xf32, #tpu.memory_space<hbm>>
    %dma_start3A_21 = arith.constant 0 : i32
    %dma_start3A_22 = tpu.memref_slice %arg2[%add3A_19, %dma_start3A_21] : memref<8192x2048xf32, #tpu.memory_space<hbm>> -> memref<8x2048xf32, #tpu.memory_space<hbm>>
    tpu.enqueue_dma source(%dma_start3A_22 : memref<8x2048xf32, #tpu.memory_space<hbm>>) target(%arg6 : memref<8x2048xf32, #tpu.memory_space<vmem>>) target_semaphore(%arg12 : memref<!tpu.dma_semaphore, #tpu.memory_space<semaphore_mem>>)
    %add3A_23 = arith.constant 8 : i32
    %add3A_24 = arith.addi %mul3A_2, %add3A_23 : i32
    %dma_start3A_25 = arith.constant 0 : i32
    %dma_start3A_26 = tpu.memref_slice %arg2[%add3A_24, %dma_start3A_25] : memref<8192x2048xf32, #tpu.memory_space<hbm>> -> memref<8x2048xf32, #tpu.memory_space<hbm>>
    %dma_start3A_27 = arith.constant 0 : i32
    %dma_start3A_28 = tpu.memref_slice %arg2[%add3A_24, %dma_start3A_27] : memref<8192x2048xf32, #tpu.memory_space<hbm>> -> memref<8x2048xf32, #tpu.memory_space<hbm>>
    tpu.enqueue_dma source(%dma_start3A_28 : memref<8x2048xf32, #tpu.memory_space<hbm>>) target(%arg7 : memref<8x2048xf32, #tpu.memory_space<vmem>>) target_semaphore(%arg13 : memref<!tpu.dma_semaphore, #tpu.memory_space<semaphore_mem>>)
    %scan3A = arith.constant 0 : i32
    %scan3A_29 = arith.constant 0 : i32
    %scan3A_30 = arith.constant 10 : i32
    %scan3A_31 = arith.addi %scan3A_29, %scan3A_30 : i32
    %scan3A_32 = arith.constant 1 : i32
    %scan3A_33 = scf.for %scan3A_79 = %scan3A_29 to %scan3A_31 step %scan3A_32 iter_args(%scan3A_80 = %scan3A) -> (i32)  : i32 {
      %mul3A_81 = arith.constant 3 : i32
      %mul3A_82 = arith.muli %scan3A_79, %mul3A_81 : i32
      %add3A_83 = arith.constant 0 : i32
      %add3A_84 = arith.addi %mul3A_82, %add3A_83 : i32
      %add3A_85 = arith.constant 2 : i32
      %add3A_86 = arith.addi %add3A_84, %add3A_85 : i32
      %lt3A = arith.constant 32 : i32
      %lt3A_87 = arith.cmpi slt, %add3A_86, %lt3A : i32
      %convert_element_type3A = arith.extui %lt3A_87 : i1 to i32
      %cond3A = arith.constant 0 : i32
      %cond3A_88 = arith.cmpi ne, %convert_element_type3A, %cond3A : i32
      scf.if %cond3A_88 {
        %add3A_168 = arith.constant 2 : i32
        %add3A_169 = arith.addi %add3A_84, %add3A_168 : i32
        %mul3A_170 = arith.constant 8 : i32
        %mul3A_171 = arith.muli %add3A_169, %mul3A_170 : i32
        %add3A_172 = arith.addi %mul3A_2, %mul3A_171 : i32
        %dma_start3A_173 = arith.constant 0 : i32
        %dma_start3A_174 = tpu.memref_slice %arg2[%add3A_172, %dma_start3A_173] : memref<8192x2048xf32, #tpu.memory_space<hbm>> -> memref<8x2048xf32, #tpu.memory_space<hbm>>
        %dma_start3A_175 = arith.constant 0 : i32
        %dma_start3A_176 = tpu.memref_slice %arg2[%add3A_172, %dma_start3A_175] : memref<8192x2048xf32, #tpu.memory_space<hbm>> -> memref<8x2048xf32, #tpu.memory_space<hbm>>
        tpu.enqueue_dma source(%dma_start3A_176 : memref<8x2048xf32, #tpu.memory_space<hbm>>) target(%arg8 : memref<8x2048xf32, #tpu.memory_space<vmem>>) target_semaphore(%arg14 : memref<!tpu.dma_semaphore, #tpu.memory_space<semaphore_mem>>)
      } else {
      }
      %dma_wait3A_89 = arith.constant 0 : i32
      %dma_wait3A_90 = tpu.memref_slice %arg2[%mul3A_2, %dma_wait3A_89] : memref<8192x2048xf32, #tpu.memory_space<hbm>> -> memref<8x2048xf32, #tpu.memory_space<hbm>>
      %dma_wait3A_91 = arith.constant 0 : i32
      %dma_wait3A_92 = tpu.memref_slice %arg2[%mul3A_2, %dma_wait3A_91] : memref<8192x2048xf32, #tpu.memory_space<hbm>> -> memref<8x2048xf32, #tpu.memory_space<hbm>>
      tpu.wait_dma2 semaphore(%arg12 : memref<!tpu.dma_semaphore, #tpu.memory_space<semaphore_mem>>) src(%dma_wait3A_92 : memref<8x2048xf32, #tpu.memory_space<hbm>>) dst(%arg6 : memref<8x2048xf32, #tpu.memory_space<vmem>>)
      %ge3A = arith.constant 3 : i32
      %ge3A_93 = arith.cmpi sge, %add3A_84, %ge3A : i32
      %convert_element_type3A_94 = arith.extui %ge3A_93 : i1 to i32
      %cond3A_95 = arith.constant 0 : i32
      %cond3A_96 = arith.cmpi ne, %convert_element_type3A_94, %cond3A_95 : i32
      scf.if %cond3A_96 {
        %dma_wait3A_168 = arith.constant 0 : i32
        %dma_wait3A_169 = tpu.memref_slice %arg4[%mul3A_2, %dma_wait3A_168] : memref<8192x2048xf32, #tpu.memory_space<hbm>> -> memref<8x2048xf32, #tpu.memory_space<hbm>>
        %dma_wait3A_170 = arith.constant 0 : i32
        %dma_wait3A_171 = tpu.memref_slice %arg4[%mul3A_2, %dma_wait3A_170] : memref<8192x2048xf32, #tpu.memory_space<hbm>> -> memref<8x2048xf32, #tpu.memory_space<hbm>>
        tpu.wait_dma2 semaphore(%arg15 : memref<!tpu.dma_semaphore, #tpu.memory_space<semaphore_mem>>) src(%arg9 : memref<8x2048xf32, #tpu.memory_space<vmem>>) dst(%dma_wait3A_171 : memref<8x2048xf32, #tpu.memory_space<hbm>>)
      } else {
      }
      %parallel_loop3A_97 = arith.constant 0 : i32
      %parallel_loop3A_98 = arith.constant 2048 : i32
      %parallel_loop3A_99 = arith.constant 16 : i32
      scf.for %parallel_loop3A_168 = %parallel_loop3A_97 to %parallel_loop3A_98 step %parallel_loop3A_99  : i32 {
        %parallel_loop3A_169 = arith.index_cast %parallel_loop3A_168 : i32 to index
        %parallel_loop3A_170 = tpu.vector_load %arg5[%parallel_loop3A_169] {strides = array<i32>} : memref<2048xi32, #tpu.memory_space<vmem>>, vector<16xi32>,
        %parallel_loop3A_171 = tpu.vector_load_idx %arg6[%broadcast_in_dim3A_3, %parallel_loop3A_170] : memref<8x2048xf32, #tpu.memory_space<vmem>>[vector<16xi32>, vector<16xi32>], vector<16xf32>,
        %parallel_loop3A_172 = arith.constant 0 : i32
        %parallel_loop3A_173 = arith.index_cast %parallel_loop3A_172 : i32 to index
        %parallel_loop3A_174 = arith.index_cast %parallel_loop3A_168 : i32 to index
        %parallel_loop3A_175 = tpu.vector_load %arg9[%parallel_loop3A_173, %parallel_loop3A_174] {strides = array<i32>} : memref<8x2048xf32, #tpu.memory_space<vmem>>, vector<16xf32>,
        tpu.vector_store %arg9[%parallel_loop3A_173, %parallel_loop3A_174], %parallel_loop3A_171 {strides = array<i32>} : memref<8x2048xf32, #tpu.memory_space<vmem>>, vector<16xf32>,
        %parallel_loop3A_176 = tpu.vector_load_idx %arg6[%broadcast_in_dim3A_5, %parallel_loop3A_170] : memref<8x2048xf32, #tpu.memory_space<vmem>>[vector<16xi32>, vector<16xi32>], vector<16xf32>,
        %parallel_loop3A_177 = arith.constant 1 : i32
        %parallel_loop3A_178 = arith.index_cast %parallel_loop3A_177 : i32 to index
        %parallel_loop3A_179 = arith.index_cast %parallel_loop3A_168 : i32 to index
        %parallel_loop3A_180 = tpu.vector_load %arg9[%parallel_loop3A_178, %parallel_loop3A_179] {strides = array<i32>} : memref<8x2048xf32, #tpu.memory_space<vmem>>, vector<16xf32>,
        tpu.vector_store %arg9[%parallel_loop3A_178, %parallel_loop3A_179], %parallel_loop3A_176 {strides = array<i32>} : memref<8x2048xf32, #tpu.memory_space<vmem>>, vector<16xf32>,
        %parallel_loop3A_181 = tpu.vector_load_idx %arg6[%broadcast_in_dim3A_7, %parallel_loop3A_170] : memref<8x2048xf32, #tpu.memory_space<vmem>>[vector<16xi32>, vector<16xi32>], vector<16xf32>,
        %parallel_loop3A_182 = arith.constant 2 : i32
        %parallel_loop3A_183 = arith.index_cast %parallel_loop3A_182 : i32 to index
        %parallel_loop3A_184 = arith.index_cast %parallel_loop3A_168 : i32 to index
        %parallel_loop3A_185 = tpu.vector_load %arg9[%parallel_loop3A_183, %parallel_loop3A_184] {strides = array<i32>} : memref<8x2048xf32, #tpu.memory_space<vmem>>, vector<16xf32>,
        tpu.vector_store %arg9[%parallel_loop3A_183, %parallel_loop3A_184], %parallel_loop3A_181 {strides = array<i32>} : memref<8x2048xf32, #tpu.memory_space<vmem>>, vector<16xf32>,
        %parallel_loop3A_186 = tpu.vector_load_idx %arg6[%broadcast_in_dim3A_9, %parallel_loop3A_170] : memref<8x2048xf32, #tpu.memory_space<vmem>>[vector<16xi32>, vector<16xi32>], vector<16xf32>,
        %parallel_loop3A_187 = arith.constant 3 : i32
        %parallel_loop3A_188 = arith.index_cast %parallel_loop3A_187 : i32 to index
        %parallel_loop3A_189 = arith.index_cast %parallel_loop3A_168 : i32 to index
        %parallel_loop3A_190 = tpu.vector_load %arg9[%parallel_loop3A_188, %parallel_loop3A_189] {strides = array<i32>} : memref<8x2048xf32, #tpu.memory_space<vmem>>, vector<16xf32>,
        tpu.vector_store %arg9[%parallel_loop3A_188, %parallel_loop3A_189], %parallel_loop3A_186 {strides = array<i32>} : memref<8x2048xf32, #tpu.memory_space<vmem>>, vector<16xf32>,
        %parallel_loop3A_191 = tpu.vector_load_idx %arg6[%broadcast_in_dim3A_11, %parallel_loop3A_170] : memref<8x2048xf32, #tpu.memory_space<vmem>>[vector<16xi32>, vector<16xi32>], vector<16xf32>,
        %parallel_loop3A_192 = arith.constant 4 : i32
        %parallel_loop3A_193 = arith.index_cast %parallel_loop3A_192 : i32 to index
        %parallel_loop3A_194 = arith.index_cast %parallel_loop3A_168 : i32 to index
        %parallel_loop3A_195 = tpu.vector_load %arg9[%parallel_loop3A_193, %parallel_loop3A_194] {strides = array<i32>} : memref<8x2048xf32, #tpu.memory_space<vmem>>, vector<16xf32>,
        tpu.vector_store %arg9[%parallel_loop3A_193, %parallel_loop3A_194], %parallel_loop3A_191 {strides = array<i32>} : memref<8x2048xf32, #tpu.memory_space<vmem>>, vector<16xf32>,
        %parallel_loop3A_196 = tpu.vector_load_idx %arg6[%broadcast_in_dim3A_13, %parallel_loop3A_170] : memref<8x2048xf32, #tpu.memory_space<vmem>>[vector<16xi32>, vector<16xi32>], vector<16xf32>,
        %parallel_loop3A_197 = arith.constant 5 : i32
        %parallel_loop3A_198 = arith.index_cast %parallel_loop3A_197 : i32 to index
        %parallel_loop3A_199 = arith.index_cast %parallel_loop3A_168 : i32 to index
        %parallel_loop3A_200 = tpu.vector_load %arg9[%parallel_loop3A_198, %parallel_loop3A_199] {strides = array<i32>} : memref<8x2048xf32, #tpu.memory_space<vmem>>, vector<16xf32>,
        tpu.vector_store %arg9[%parallel_loop3A_198, %parallel_loop3A_199], %parallel_loop3A_196 {strides = array<i32>} : memref<8x2048xf32, #tpu.memory_space<vmem>>, vector<16xf32>,
        %parallel_loop3A_201 = tpu.vector_load_idx %arg6[%broadcast_in_dim3A_15, %parallel_loop3A_170] : memref<8x2048xf32, #tpu.memory_space<vmem>>[vector<16xi32>, vector<16xi32>], vector<16xf32>,
        %parallel_loop3A_202 = arith.constant 6 : i32
        %parallel_loop3A_203 = arith.index_cast %parallel_loop3A_202 : i32 to index
        %parallel_loop3A_204 = arith.index_cast %parallel_loop3A_168 : i32 to index
        %parallel_loop3A_205 = tpu.vector_load %arg9[%parallel_loop3A_203, %parallel_loop3A_204] {strides = array<i32>} : memref<8x2048xf32, #tpu.memory_space<vmem>>, vector<16xf32>,
        tpu.vector_store %arg9[%parallel_loop3A_203, %parallel_loop3A_204], %parallel_loop3A_201 {strides = array<i32>} : memref<8x2048xf32, #tpu.memory_space<vmem>>, vector<16xf32>,
        %parallel_loop3A_206 = tpu.vector_load_idx %arg6[%broadcast_in_dim3A_17, %parallel_loop3A_170] : memref<8x2048xf32, #tpu.memory_space<vmem>>[vector<16xi32>, vector<16xi32>], vector<16xf32>,
        %parallel_loop3A_207 = arith.constant 7 : i32
        %parallel_loop3A_208 = arith.index_cast %parallel_loop3A_207 : i32 to index
        %parallel_loop3A_209 = arith.index_cast %parallel_loop3A_168 : i32 to index
        %parallel_loop3A_210 = tpu.vector_load %arg9[%parallel_loop3A_208, %parallel_loop3A_209] {strides = array<i32>} : memref<8x2048xf32, #tpu.memory_space<vmem>>, vector<16xf32>,
        tpu.vector_store %arg9[%parallel_loop3A_208, %parallel_loop3A_209], %parallel_loop3A_206 {strides = array<i32>} : memref<8x2048xf32, #tpu.memory_space<vmem>>, vector<16xf32>,
      } {sc.loop_unroll_factor = 4 : i64, sc.parallel_access}
      %mul3A_100 = arith.constant 8 : i32
      %mul3A_101 = arith.muli %add3A_84, %mul3A_100 : i32
      %add3A_102 = arith.addi %mul3A_2, %mul3A_101 : i32
      %dma_start3A_103 = arith.constant 0 : i32
      %dma_start3A_104 = tpu.memref_slice %arg4[%add3A_102, %dma_start3A_103] : memref<8192x2048xf32, #tpu.memory_space<hbm>> -> memref<8x2048xf32, #tpu.memory_space<hbm>>
      %dma_start3A_105 = arith.constant 0 : i32
      %dma_start3A_106 = tpu.memref_slice %arg4[%add3A_102, %dma_start3A_105] : memref<8192x2048xf32, #tpu.memory_space<hbm>> -> memref<8x2048xf32, #tpu.memory_space<hbm>>
      tpu.enqueue_dma source(%arg9 : memref<8x2048xf32, #tpu.memory_space<vmem>>) target(%dma_start3A_106 : memref<8x2048xf32, #tpu.memory_space<hbm>>) target_semaphore(%arg15 : memref<!tpu.dma_semaphore, #tpu.memory_space<semaphore_mem>>)
      %mul3A_107 = arith.constant 3 : i32
      %mul3A_108 = arith.muli %scan3A_79, %mul3A_107 : i32
      %add3A_109 = arith.constant 1 : i32
      %add3A_110 = arith.addi %mul3A_108, %add3A_109 : i32
      %add3A_111 = arith.constant 2 : i32
      %add3A_112 = arith.addi %add3A_110, %add3A_111 : i32
      %lt3A_113 = arith.constant 32 : i32
      %lt3A_114 = arith.cmpi slt, %add3A_112, %lt3A_113 : i32
      %convert_element_type3A_115 = arith.extui %lt3A_114 : i1 to i32
      %cond3A_116 = arith.constant 0 : i32
      %cond3A_117 = arith.cmpi ne, %convert_element_type3A_115, %cond3A_116 : i32
      scf.if %cond3A_117 {
        %add3A_168 = arith.constant 2 : i32
        %add3A_169 = arith.addi %add3A_110, %add3A_168 : i32
        %mul3A_170 = arith.constant 8 : i32
        %mul3A_171 = arith.muli %add3A_169, %mul3A_170 : i32
        %add3A_172 = arith.addi %mul3A_2, %mul3A_171 : i32
        %dma_start3A_173 = arith.constant 0 : i32
        %dma_start3A_174 = tpu.memref_slice %arg2[%add3A_172, %dma_start3A_173] : memref<8192x2048xf32, #tpu.memory_space<hbm>> -> memref<8x2048xf32, #tpu.memory_space<hbm>>
        %dma_start3A_175 = arith.constant 0 : i32
        %dma_start3A_176 = tpu.memref_slice %arg2[%add3A_172, %dma_start3A_175] : memref<8192x2048xf32, #tpu.memory_space<hbm>> -> memref<8x2048xf32, #tpu.memory_space<hbm>>
        tpu.enqueue_dma source(%dma_start3A_176 : memref<8x2048xf32, #tpu.memory_space<hbm>>) target(%arg6 : memref<8x2048xf32, #tpu.memory_space<vmem>>) target_semaphore(%arg12 : memref<!tpu.dma_semaphore, #tpu.memory_space<semaphore_mem>>)
      } else {
      }
      %dma_wait3A_118 = arith.constant 0 : i32
      %dma_wait3A_119 = tpu.memref_slice %arg2[%mul3A_2, %dma_wait3A_118] : memref<8192x2048xf32, #tpu.memory_space<hbm>> -> memref<8x2048xf32, #tpu.memory_space<hbm>>
      %dma_wait3A_120 = arith.constant 0 : i32
      %dma_wait3A_121 = tpu.memref_slice %arg2[%mul3A_2, %dma_wait3A_120] : memref<8192x2048xf32, #tpu.memory_space<hbm>> -> memref<8x2048xf32, #tpu.memory_space<hbm>>
      tpu.wait_dma2 semaphore(%arg13 : memref<!tpu.dma_semaphore, #tpu.memory_space<semaphore_mem>>) src(%dma_wait3A_121 : memref<8x2048xf32, #tpu.memory_space<hbm>>) dst(%arg7 : memref<8x2048xf32, #tpu.memory_space<vmem>>)
      %ge3A_122 = arith.constant 3 : i32
      %ge3A_123 = arith.cmpi sge, %add3A_110, %ge3A_122 : i32
      %convert_element_type3A_124 = arith.extui %ge3A_123 : i1 to i32
      %cond3A_125 = arith.constant 0 : i32
      %cond3A_126 = arith.cmpi ne, %convert_element_type3A_124, %cond3A_125 : i32
      scf.if %cond3A_126 {
        %dma_wait3A_168 = arith.constant 0 : i32
        %dma_wait3A_169 = tpu.memref_slice %arg4[%mul3A_2, %dma_wait3A_168] : memref<8192x2048xf32, #tpu.memory_space<hbm>> -> memref<8x2048xf32, #tpu.memory_space<hbm>>
        %dma_wait3A_170 = arith.constant 0 : i32
        %dma_wait3A_171 = tpu.memref_slice %arg4[%mul3A_2, %dma_wait3A_170] : memref<8192x2048xf32, #tpu.memory_space<hbm>> -> memref<8x2048xf32, #tpu.memory_space<hbm>>
        tpu.wait_dma2 semaphore(%arg16 : memref<!tpu.dma_semaphore, #tpu.memory_space<semaphore_mem>>) src(%arg10 : memref<8x2048xf32, #tpu.memory_space<vmem>>) dst(%dma_wait3A_171 : memref<8x2048xf32, #tpu.memory_space<hbm>>)
      } else {
      }
      %parallel_loop3A_127 = arith.constant 0 : i32
      %parallel_loop3A_128 = arith.constant 2048 : i32
      %parallel_loop3A_129 = arith.constant 16 : i32
      scf.for %parallel_loop3A_168 = %parallel_loop3A_127 to %parallel_loop3A_128 step %parallel_loop3A_129  : i32 {
        %parallel_loop3A_169 = arith.index_cast %parallel_loop3A_168 : i32 to index
        %parallel_loop3A_170 = tpu.vector_load %arg5[%parallel_loop3A_169] {strides = array<i32>} : memref<2048xi32, #tpu.memory_space<vmem>>, vector<16xi32>,
        %parallel_loop3A_171 = tpu.vector_load_idx %arg7[%broadcast_in_dim3A_3, %parallel_loop3A_170] : memref<8x2048xf32, #tpu.memory_space<vmem>>[vector<16xi32>, vector<16xi32>], vector<16xf32>,
        %parallel_loop3A_172 = arith.constant 0 : i32
        %parallel_loop3A_173 = arith.index_cast %parallel_loop3A_172 : i32 to index
        %parallel_loop3A_174 = arith.index_cast %parallel_loop3A_168 : i32 to index
        %parallel_loop3A_175 = tpu.vector_load %arg10[%parallel_loop3A_173, %parallel_loop3A_174] {strides = array<i32>} : memref<8x2048xf32, #tpu.memory_space<vmem>>, vector<16xf32>,
        tpu.vector_store %arg10[%parallel_loop3A_173, %parallel_loop3A_174], %parallel_loop3A_171 {strides = array<i32>} : memref<8x2048xf32, #tpu.memory_space<vmem>>, vector<16xf32>,
        %parallel_loop3A_176 = tpu.vector_load_idx %arg7[%broadcast_in_dim3A_5, %parallel_loop3A_170] : memref<8x2048xf32, #tpu.memory_space<vmem>>[vector<16xi32>, vector<16xi32>], vector<16xf32>,
        %parallel_loop3A_177 = arith.constant 1 : i32
        %parallel_loop3A_178 = arith.index_cast %parallel_loop3A_177 : i32 to index
        %parallel_loop3A_179 = arith.index_cast %parallel_loop3A_168 : i32 to index
        %parallel_loop3A_180 = tpu.vector_load %arg10[%parallel_loop3A_178, %parallel_loop3A_179] {strides = array<i32>} : memref<8x2048xf32, #tpu.memory_space<vmem>>, vector<16xf32>,
        tpu.vector_store %arg10[%parallel_loop3A_178, %parallel_loop3A_179], %parallel_loop3A_176 {strides = array<i32>} : memref<8x2048xf32, #tpu.memory_space<vmem>>, vector<16xf32>,
        %parallel_loop3A_181 = tpu.vector_load_idx %arg7[%broadcast_in_dim3A_7, %parallel_loop3A_170] : memref<8x2048xf32, #tpu.memory_space<vmem>>[vector<16xi32>, vector<16xi32>], vector<16xf32>,
        %parallel_loop3A_182 = arith.constant 2 : i32
        %parallel_loop3A_183 = arith.index_cast %parallel_loop3A_182 : i32 to index
        %parallel_loop3A_184 = arith.index_cast %parallel_loop3A_168 : i32 to index
        %parallel_loop3A_185 = tpu.vector_load %arg10[%parallel_loop3A_183, %parallel_loop3A_184] {strides = array<i32>} : memref<8x2048xf32, #tpu.memory_space<vmem>>, vector<16xf32>,
        tpu.vector_store %arg10[%parallel_loop3A_183, %parallel_loop3A_184], %parallel_loop3A_181 {strides = array<i32>} : memref<8x2048xf32, #tpu.memory_space<vmem>>, vector<16xf32>,
        %parallel_loop3A_186 = tpu.vector_load_idx %arg7[%broadcast_in_dim3A_9, %parallel_loop3A_170] : memref<8x2048xf32, #tpu.memory_space<vmem>>[vector<16xi32>, vector<16xi32>], vector<16xf32>,
        %parallel_loop3A_187 = arith.constant 3 : i32
        %parallel_loop3A_188 = arith.index_cast %parallel_loop3A_187 : i32 to index
        %parallel_loop3A_189 = arith.index_cast %parallel_loop3A_168 : i32 to index
        %parallel_loop3A_190 = tpu.vector_load %arg10[%parallel_loop3A_188, %parallel_loop3A_189] {strides = array<i32>} : memref<8x2048xf32, #tpu.memory_space<vmem>>, vector<16xf32>,
        tpu.vector_store %arg10[%parallel_loop3A_188, %parallel_loop3A_189], %parallel_loop3A_186 {strides = array<i32>} : memref<8x2048xf32, #tpu.memory_space<vmem>>, vector<16xf32>,
        %parallel_loop3A_191 = tpu.vector_load_idx %arg7[%broadcast_in_dim3A_11, %parallel_loop3A_170] : memref<8x2048xf32, #tpu.memory_space<vmem>>[vector<16xi32>, vector<16xi32>], vector<16xf32>,
        %parallel_loop3A_192 = arith.constant 4 : i32
        %parallel_loop3A_193 = arith.index_cast %parallel_loop3A_192 : i32 to index
        %parallel_loop3A_194 = arith.index_cast %parallel_loop3A_168 : i32 to index
        %parallel_loop3A_195 = tpu.vector_load %arg10[%parallel_loop3A_193, %parallel_loop3A_194] {strides = array<i32>} : memref<8x2048xf32, #tpu.memory_space<vmem>>, vector<16xf32>,
        tpu.vector_store %arg10[%parallel_loop3A_193, %parallel_loop3A_194], %parallel_loop3A_191 {strides = array<i32>} : memref<8x2048xf32, #tpu.memory_space<vmem>>, vector<16xf32>,
        %parallel_loop3A_196 = tpu.vector_load_idx %arg7[%broadcast_in_dim3A_13, %parallel_loop3A_170] : memref<8x2048xf32, #tpu.memory_space<vmem>>[vector<16xi32>, vector<16xi32>], vector<16xf32>,
        %parallel_loop3A_197 = arith.constant 5 : i32
        %parallel_loop3A_198 = arith.index_cast %parallel_loop3A_197 : i32 to index
        %parallel_loop3A_199 = arith.index_cast %parallel_loop3A_168 : i32 to index
        %parallel_loop3A_200 = tpu.vector_load %arg10[%parallel_loop3A_198, %parallel_loop3A_199] {strides = array<i32>} : memref<8x2048xf32, #tpu.memory_space<vmem>>, vector<16xf32>,
        tpu.vector_store %arg10[%parallel_loop3A_198, %parallel_loop3A_199], %parallel_loop3A_196 {strides = array<i32>} : memref<8x2048xf32, #tpu.memory_space<vmem>>, vector<16xf32>,
        %parallel_loop3A_201 = tpu.vector_load_idx %arg7[%broadcast_in_dim3A_15, %parallel_loop3A_170] : memref<8x2048xf32, #tpu.memory_space<vmem>>[vector<16xi32>, vector<16xi32>], vector<16xf32>,
        %parallel_loop3A_202 = arith.constant 6 : i32
        %parallel_loop3A_203 = arith.index_cast %parallel_loop3A_202 : i32 to index
        %parallel_loop3A_204 = arith.index_cast %parallel_loop3A_168 : i32 to index
        %parallel_loop3A_205 = tpu.vector_load %arg10[%parallel_loop3A_203, %parallel_loop3A_204] {strides = array<i32>} : memref<8x2048xf32, #tpu.memory_space<vmem>>, vector<16xf32>,
        tpu.vector_store %arg10[%parallel_loop3A_203, %parallel_loop3A_204], %parallel_loop3A_201 {strides = array<i32>} : memref<8x2048xf32, #tpu.memory_space<vmem>>, vector<16xf32>,
        %parallel_loop3A_206 = tpu.vector_load_idx %arg7[%broadcast_in_dim3A_17, %parallel_loop3A_170] : memref<8x2048xf32, #tpu.memory_space<vmem>>[vector<16xi32>, vector<16xi32>], vector<16xf32>,
        %parallel_loop3A_207 = arith.constant 7 : i32
        %parallel_loop3A_208 = arith.index_cast %parallel_loop3A_207 : i32 to index
        %parallel_loop3A_209 = arith.index_cast %parallel_loop3A_168 : i32 to index
        %parallel_loop3A_210 = tpu.vector_load %arg10[%parallel_loop3A_208, %parallel_loop3A_209] {strides = array<i32>} : memref<8x2048xf32, #tpu.memory_space<vmem>>, vector<16xf32>,
        tpu.vector_store %arg10[%parallel_loop3A_208, %parallel_loop3A_209], %parallel_loop3A_206 {strides = array<i32>} : memref<8x2048xf32, #tpu.memory_space<vmem>>, vector<16xf32>,
      } {sc.loop_unroll_factor = 4 : i64, sc.parallel_access}
      %mul3A_130 = arith.constant 8 : i32
      %mul3A_131 = arith.muli %add3A_110, %mul3A_130 : i32
      %add3A_132 = arith.addi %mul3A_2, %mul3A_131 : i32
      %dma_start3A_133 = arith.constant 0 : i32
      %dma_start3A_134 = tpu.memref_slice %arg4[%add3A_132, %dma_start3A_133] : memref<8192x2048xf32, #tpu.memory_space<hbm>> -> memref<8x2048xf32, #tpu.memory_space<hbm>>
      %dma_start3A_135 = arith.constant 0 : i32
      %dma_start3A_136 = tpu.memref_slice %arg4[%add3A_132, %dma_start3A_135] : memref<8192x2048xf32, #tpu.memory_space<hbm>> -> memref<8x2048xf32, #tpu.memory_space<hbm>>
      tpu.enqueue_dma source(%arg10 : memref<8x2048xf32, #tpu.memory_space<vmem>>) target(%dma_start3A_136 : memref<8x2048xf32, #tpu.memory_space<hbm>>) target_semaphore(%arg16 : memref<!tpu.dma_semaphore, #tpu.memory_space<semaphore_mem>>)
      %mul3A_137 = arith.constant 3 : i32
      %mul3A_138 = arith.muli %scan3A_79, %mul3A_137 : i32
      %add3A_139 = arith.constant 2 : i32
      %add3A_140 = arith.addi %mul3A_138, %add3A_139 : i32
      %add3A_141 = arith.constant 2 : i32
      %add3A_142 = arith.addi %add3A_140, %add3A_141 : i32
      %lt3A_143 = arith.constant 32 : i32
      %lt3A_144 = arith.cmpi slt, %add3A_142, %lt3A_143 : i32
      %convert_element_type3A_145 = arith.extui %lt3A_144 : i1 to i32
      %cond3A_146 = arith.constant 0 : i32
      %cond3A_147 = arith.cmpi ne, %convert_element_type3A_145, %cond3A_146 : i32
      scf.if %cond3A_147 {
        %add3A_168 = arith.constant 2 : i32
        %add3A_169 = arith.addi %add3A_140, %add3A_168 : i32
        %mul3A_170 = arith.constant 8 : i32
        %mul3A_171 = arith.muli %add3A_169, %mul3A_170 : i32
        %add3A_172 = arith.addi %mul3A_2, %mul3A_171 : i32
        %dma_start3A_173 = arith.constant 0 : i32
        %dma_start3A_174 = tpu.memref_slice %arg2[%add3A_172, %dma_start3A_173] : memref<8192x2048xf32, #tpu.memory_space<hbm>> -> memref<8x2048xf32, #tpu.memory_space<hbm>>
        %dma_start3A_175 = arith.constant 0 : i32
        %dma_start3A_176 = tpu.memref_slice %arg2[%add3A_172, %dma_start3A_175] : memref<8192x2048xf32, #tpu.memory_space<hbm>> -> memref<8x2048xf32, #tpu.memory_space<hbm>>
        tpu.enqueue_dma source(%dma_start3A_176 : memref<8x2048xf32, #tpu.memory_space<hbm>>) target(%arg7 : memref<8x2048xf32, #tpu.memory_space<vmem>>) target_semaphore(%arg13 : memref<!tpu.dma_semaphore, #tpu.memory_space<semaphore_mem>>)
      } else {
      }
      %dma_wait3A_148 = arith.constant 0 : i32
      %dma_wait3A_149 = tpu.memref_slice %arg2[%mul3A_2, %dma_wait3A_148] : memref<8192x2048xf32, #tpu.memory_space<hbm>> -> memref<8x2048xf32, #tpu.memory_space<hbm>>
      %dma_wait3A_150 = arith.constant 0 : i32
      %dma_wait3A_151 = tpu.memref_slice %arg2[%mul3A_2, %dma_wait3A_150] : memref<8192x2048xf32, #tpu.memory_space<hbm>> -> memref<8x2048xf32, #tpu.memory_space<hbm>>
      tpu.wait_dma2 semaphore(%arg14 : memref<!tpu.dma_semaphore, #tpu.memory_space<semaphore_mem>>) src(%dma_wait3A_151 : memref<8x2048xf32, #tpu.memory_space<hbm>>) dst(%arg8 : memref<8x2048xf32, #tpu.memory_space<vmem>>)
      %ge3A_152 = arith.constant 3 : i32
      %ge3A_153 = arith.cmpi sge, %add3A_140, %ge3A_152 : i32
      %convert_element_type3A_154 = arith.extui %ge3A_153 : i1 to i32
      %cond3A_155 = arith.constant 0 : i32
      %cond3A_156 = arith.cmpi ne, %convert_element_type3A_154, %cond3A_155 : i32
      scf.if %cond3A_156 {
        %dma_wait3A_168 = arith.constant 0 : i32
        %dma_wait3A_169 = tpu.memref_slice %arg4[%mul3A_2, %dma_wait3A_168] : memref<8192x2048xf32, #tpu.memory_space<hbm>> -> memref<8x2048xf32, #tpu.memory_space<hbm>>
        %dma_wait3A_170 = arith.constant 0 : i32
        %dma_wait3A_171 = tpu.memref_slice %arg4[%mul3A_2, %dma_wait3A_170] : memref<8192x2048xf32, #tpu.memory_space<hbm>> -> memref<8x2048xf32, #tpu.memory_space<hbm>>
        tpu.wait_dma2 semaphore(%arg17 : memref<!tpu.dma_semaphore, #tpu.memory_space<semaphore_mem>>) src(%arg11 : memref<8x2048xf32, #tpu.memory_space<vmem>>) dst(%dma_wait3A_171 : memref<8x2048xf32, #tpu.memory_space<hbm>>)
      } else {
      }
      %parallel_loop3A_157 = arith.constant 0 : i32
      %parallel_loop3A_158 = arith.constant 2048 : i32
      %parallel_loop3A_159 = arith.constant 16 : i32
      scf.for %parallel_loop3A_168 = %parallel_loop3A_157 to %parallel_loop3A_158 step %parallel_loop3A_159  : i32 {
        %parallel_loop3A_169 = arith.index_cast %parallel_loop3A_168 : i32 to index
        %parallel_loop3A_170 = tpu.vector_load %arg5[%parallel_loop3A_169] {strides = array<i32>} : memref<2048xi32, #tpu.memory_space<vmem>>, vector<16xi32>,
        %parallel_loop3A_171 = tpu.vector_load_idx %arg8[%broadcast_in_dim3A_3, %parallel_loop3A_170] : memref<8x2048xf32, #tpu.memory_space<vmem>>[vector<16xi32>, vector<16xi32>], vector<16xf32>,
        %parallel_loop3A_172 = arith.constant 0 : i32
        %parallel_loop3A_173 = arith.index_cast %parallel_loop3A_172 : i32 to index
        %parallel_loop3A_174 = arith.index_cast %parallel_loop3A_168 : i32 to index
        %parallel_loop3A_175 = tpu.vector_load %arg11[%parallel_loop3A_173, %parallel_loop3A_174] {strides = array<i32>} : memref<8x2048xf32, #tpu.memory_space<vmem>>, vector<16xf32>,
        tpu.vector_store %arg11[%parallel_loop3A_173, %parallel_loop3A_174], %parallel_loop3A_171 {strides = array<i32>} : memref<8x2048xf32, #tpu.memory_space<vmem>>, vector<16xf32>,
        %parallel_loop3A_176 = tpu.vector_load_idx %arg8[%broadcast_in_dim3A_5, %parallel_loop3A_170] : memref<8x2048xf32, #tpu.memory_space<vmem>>[vector<16xi32>, vector<16xi32>], vector<16xf32>,
        %parallel_loop3A_177 = arith.constant 1 : i32
        %parallel_loop3A_178 = arith.index_cast %parallel_loop3A_177 : i32 to index
        %parallel_loop3A_179 = arith.index_cast %parallel_loop3A_168 : i32 to index
        %parallel_loop3A_180 = tpu.vector_load %arg11[%parallel_loop3A_178, %parallel_loop3A_179] {strides = array<i32>} : memref<8x2048xf32, #tpu.memory_space<vmem>>, vector<16xf32>,
        tpu.vector_store %arg11[%parallel_loop3A_178, %parallel_loop3A_179], %parallel_loop3A_176 {strides = array<i32>} : memref<8x2048xf32, #tpu.memory_space<vmem>>, vector<16xf32>,
        %parallel_loop3A_181 = tpu.vector_load_idx %arg8[%broadcast_in_dim3A_7, %parallel_loop3A_170] : memref<8x2048xf32, #tpu.memory_space<vmem>>[vector<16xi32>, vector<16xi32>], vector<16xf32>,
        %parallel_loop3A_182 = arith.constant 2 : i32
        %parallel_loop3A_183 = arith.index_cast %parallel_loop3A_182 : i32 to index
        %parallel_loop3A_184 = arith.index_cast %parallel_loop3A_168 : i32 to index
        %parallel_loop3A_185 = tpu.vector_load %arg11[%parallel_loop3A_183, %parallel_loop3A_184] {strides = array<i32>} : memref<8x2048xf32, #tpu.memory_space<vmem>>, vector<16xf32>,
        tpu.vector_store %arg11[%parallel_loop3A_183, %parallel_loop3A_184], %parallel_loop3A_181 {strides = array<i32>} : memref<8x2048xf32, #tpu.memory_space<vmem>>, vector<16xf32>,
        %parallel_loop3A_186 = tpu.vector_load_idx %arg8[%broadcast_in_dim3A_9, %parallel_loop3A_170] : memref<8x2048xf32, #tpu.memory_space<vmem>>[vector<16xi32>, vector<16xi32>], vector<16xf32>,
        %parallel_loop3A_187 = arith.constant 3 : i32
        %parallel_loop3A_188 = arith.index_cast %parallel_loop3A_187 : i32 to index
        %parallel_loop3A_189 = arith.index_cast %parallel_loop3A_168 : i32 to index
        %parallel_loop3A_190 = tpu.vector_load %arg11[%parallel_loop3A_188, %parallel_loop3A_189] {strides = array<i32>} : memref<8x2048xf32, #tpu.memory_space<vmem>>, vector<16xf32>,
        tpu.vector_store %arg11[%parallel_loop3A_188, %parallel_loop3A_189], %parallel_loop3A_186 {strides = array<i32>} : memref<8x2048xf32, #tpu.memory_space<vmem>>, vector<16xf32>,
        %parallel_loop3A_191 = tpu.vector_load_idx %arg8[%broadcast_in_dim3A_11, %parallel_loop3A_170] : memref<8x2048xf32, #tpu.memory_space<vmem>>[vector<16xi32>, vector<16xi32>], vector<16xf32>,
        %parallel_loop3A_192 = arith.constant 4 : i32
        %parallel_loop3A_193 = arith.index_cast %parallel_loop3A_192 : i32 to index
        %parallel_loop3A_194 = arith.index_cast %parallel_loop3A_168 : i32 to index
        %parallel_loop3A_195 = tpu.vector_load %arg11[%parallel_loop3A_193, %parallel_loop3A_194] {strides = array<i32>} : memref<8x2048xf32, #tpu.memory_space<vmem>>, vector<16xf32>,
        tpu.vector_store %arg11[%parallel_loop3A_193, %parallel_loop3A_194], %parallel_loop3A_191 {strides = array<i32>} : memref<8x2048xf32, #tpu.memory_space<vmem>>, vector<16xf32>,
        %parallel_loop3A_196 = tpu.vector_load_idx %arg8[%broadcast_in_dim3A_13, %parallel_loop3A_170] : memref<8x2048xf32, #tpu.memory_space<vmem>>[vector<16xi32>, vector<16xi32>], vector<16xf32>,
        %parallel_loop3A_197 = arith.constant 5 : i32
        %parallel_loop3A_198 = arith.index_cast %parallel_loop3A_197 : i32 to index
        %parallel_loop3A_199 = arith.index_cast %parallel_loop3A_168 : i32 to index
        %parallel_loop3A_200 = tpu.vector_load %arg11[%parallel_loop3A_198, %parallel_loop3A_199] {strides = array<i32>} : memref<8x2048xf32, #tpu.memory_space<vmem>>, vector<16xf32>,
        tpu.vector_store %arg11[%parallel_loop3A_198, %parallel_loop3A_199], %parallel_loop3A_196 {strides = array<i32>} : memref<8x2048xf32, #tpu.memory_space<vmem>>, vector<16xf32>,
        %parallel_loop3A_201 = tpu.vector_load_idx %arg8[%broadcast_in_dim3A_15, %parallel_loop3A_170] : memref<8x2048xf32, #tpu.memory_space<vmem>>[vector<16xi32>, vector<16xi32>], vector<16xf32>,
        %parallel_loop3A_202 = arith.constant 6 : i32
        %parallel_loop3A_203 = arith.index_cast %parallel_loop3A_202 : i32 to index
        %parallel_loop3A_204 = arith.index_cast %parallel_loop3A_168 : i32 to index
        %parallel_loop3A_205 = tpu.vector_load %arg11[%parallel_loop3A_203, %parallel_loop3A_204] {strides = array<i32>} : memref<8x2048xf32, #tpu.memory_space<vmem>>, vector<16xf32>,
        tpu.vector_store %arg11[%parallel_loop3A_203, %parallel_loop3A_204], %parallel_loop3A_201 {strides = array<i32>} : memref<8x2048xf32, #tpu.memory_space<vmem>>, vector<16xf32>,
        %parallel_loop3A_206 = tpu.vector_load_idx %arg8[%broadcast_in_dim3A_17, %parallel_loop3A_170] : memref<8x2048xf32, #tpu.memory_space<vmem>>[vector<16xi32>, vector<16xi32>], vector<16xf32>,
        %parallel_loop3A_207 = arith.constant 7 : i32
        %parallel_loop3A_208 = arith.index_cast %parallel_loop3A_207 : i32 to index
        %parallel_loop3A_209 = arith.index_cast %parallel_loop3A_168 : i32 to index
        %parallel_loop3A_210 = tpu.vector_load %arg11[%parallel_loop3A_208, %parallel_loop3A_209] {strides = array<i32>} : memref<8x2048xf32, #tpu.memory_space<vmem>>, vector<16xf32>,
        tpu.vector_store %arg11[%parallel_loop3A_208, %parallel_loop3A_209], %parallel_loop3A_206 {strides = array<i32>} : memref<8x2048xf32, #tpu.memory_space<vmem>>, vector<16xf32>,
      } {sc.loop_unroll_factor = 4 : i64, sc.parallel_access}
      %mul3A_160 = arith.constant 8 : i32
      %mul3A_161 = arith.muli %add3A_140, %mul3A_160 : i32
      %add3A_162 = arith.addi %mul3A_2, %mul3A_161 : i32
      %dma_start3A_163 = arith.constant 0 : i32
      %dma_start3A_164 = tpu.memref_slice %arg4[%add3A_162, %dma_start3A_163] : memref<8192x2048xf32, #tpu.memory_space<hbm>> -> memref<8x2048xf32, #tpu.memory_space<hbm>>
      %dma_start3A_165 = arith.constant 0 : i32
      %dma_start3A_166 = tpu.memref_slice %arg4[%add3A_162, %dma_start3A_165] : memref<8192x2048xf32, #tpu.memory_space<hbm>> -> memref<8x2048xf32, #tpu.memory_space<hbm>>
      tpu.enqueue_dma source(%arg11 : memref<8x2048xf32, #tpu.memory_space<vmem>>) target(%dma_start3A_166 : memref<8x2048xf32, #tpu.memory_space<hbm>>) target_semaphore(%arg17 : memref<!tpu.dma_semaphore, #tpu.memory_space<semaphore_mem>>)
      %scan3A_167 = arith.constant 0 : i32
      scf.yield %scan3A_167 : i32
    }
    %scan3A_34 = arith.constant 10 : i32
    %dma_wait3A = arith.constant 0 : i32
    %dma_wait3A_35 = tpu.memref_slice %arg2[%mul3A_2, %dma_wait3A] : memref<8192x2048xf32, #tpu.memory_space<hbm>> -> memref<8x2048xf32, #tpu.memory_space<hbm>>
    %dma_wait3A_36 = arith.constant 0 : i32
    %dma_wait3A_37 = tpu.memref_slice %arg2[%mul3A_2, %dma_wait3A_36] : memref<8192x2048xf32, #tpu.memory_space<hbm>> -> memref<8x2048xf32, #tpu.memory_space<hbm>>
    tpu.wait_dma2 semaphore(%arg12 : memref<!tpu.dma_semaphore, #tpu.memory_space<semaphore_mem>>) src(%dma_wait3A_37 : memref<8x2048xf32, #tpu.memory_space<hbm>>) dst(%arg6 : memref<8x2048xf32, #tpu.memory_space<vmem>>)
    %dma_wait3A_38 = arith.constant 0 : i32
    %dma_wait3A_39 = tpu.memref_slice %arg4[%mul3A_2, %dma_wait3A_38] : memref<8192x2048xf32, #tpu.memory_space<hbm>> -> memref<8x2048xf32, #tpu.memory_space<hbm>>
    %dma_wait3A_40 = arith.constant 0 : i32
    %dma_wait3A_41 = tpu.memref_slice %arg4[%mul3A_2, %dma_wait3A_40] : memref<8192x2048xf32, #tpu.memory_space<hbm>> -> memref<8x2048xf32, #tpu.memory_space<hbm>>
    tpu.wait_dma2 semaphore(%arg15 : memref<!tpu.dma_semaphore, #tpu.memory_space<semaphore_mem>>) src(%arg9 : memref<8x2048xf32, #tpu.memory_space<vmem>>) dst(%dma_wait3A_41 : memref<8x2048xf32, #tpu.memory_space<hbm>>)
    %parallel_loop3A = arith.constant 0 : i32
    %parallel_loop3A_42 = arith.constant 2048 : i32
    %parallel_loop3A_43 = arith.constant 16 : i32
    scf.for %parallel_loop3A_79 = %parallel_loop3A to %parallel_loop3A_42 step %parallel_loop3A_43  : i32 {
      %parallel_loop3A_80 = arith.index_cast %parallel_loop3A_79 : i32 to index
      %parallel_loop3A_81 = tpu.vector_load %arg5[%parallel_loop3A_80] {strides = array<i32>} : memref<2048xi32, #tpu.memory_space<vmem>>, vector<16xi32>,
      %parallel_loop3A_82 = tpu.vector_load_idx %arg6[%broadcast_in_dim3A_3, %parallel_loop3A_81] : memref<8x2048xf32, #tpu.memory_space<vmem>>[vector<16xi32>, vector<16xi32>], vector<16xf32>,
      %parallel_loop3A_83 = arith.constant 0 : i32
      %parallel_loop3A_84 = arith.index_cast %parallel_loop3A_83 : i32 to index
      %parallel_loop3A_85 = arith.index_cast %parallel_loop3A_79 : i32 to index
      %parallel_loop3A_86 = tpu.vector_load %arg9[%parallel_loop3A_84, %parallel_loop3A_85] {strides = array<i32>} : memref<8x2048xf32, #tpu.memory_space<vmem>>, vector<16xf32>,
      tpu.vector_store %arg9[%parallel_loop3A_84, %parallel_loop3A_85], %parallel_loop3A_82 {strides = array<i32>} : memref<8x2048xf32, #tpu.memory_space<vmem>>, vector<16xf32>,
      %parallel_loop3A_87 = tpu.vector_load_idx %arg6[%broadcast_in_dim3A_5, %parallel_loop3A_81] : memref<8x2048xf32, #tpu.memory_space<vmem>>[vector<16xi32>, vector<16xi32>], vector<16xf32>,
      %parallel_loop3A_88 = arith.constant 1 : i32
      %parallel_loop3A_89 = arith.index_cast %parallel_loop3A_88 : i32 to index
      %parallel_loop3A_90 = arith.index_cast %parallel_loop3A_79 : i32 to index
      %parallel_loop3A_91 = tpu.vector_load %arg9[%parallel_loop3A_89, %parallel_loop3A_90] {strides = array<i32>} : memref<8x2048xf32, #tpu.memory_space<vmem>>, vector<16xf32>,
      tpu.vector_store %arg9[%parallel_loop3A_89, %parallel_loop3A_90], %parallel_loop3A_87 {strides = array<i32>} : memref<8x2048xf32, #tpu.memory_space<vmem>>, vector<16xf32>,
      %parallel_loop3A_92 = tpu.vector_load_idx %arg6[%broadcast_in_dim3A_7, %parallel_loop3A_81] : memref<8x2048xf32, #tpu.memory_space<vmem>>[vector<16xi32>, vector<16xi32>], vector<16xf32>,
      %parallel_loop3A_93 = arith.constant 2 : i32
      %parallel_loop3A_94 = arith.index_cast %parallel_loop3A_93 : i32 to index
      %parallel_loop3A_95 = arith.index_cast %parallel_loop3A_79 : i32 to index
      %parallel_loop3A_96 = tpu.vector_load %arg9[%parallel_loop3A_94, %parallel_loop3A_95] {strides = array<i32>} : memref<8x2048xf32, #tpu.memory_space<vmem>>, vector<16xf32>,
      tpu.vector_store %arg9[%parallel_loop3A_94, %parallel_loop3A_95], %parallel_loop3A_92 {strides = array<i32>} : memref<8x2048xf32, #tpu.memory_space<vmem>>, vector<16xf32>,
      %parallel_loop3A_97 = tpu.vector_load_idx %arg6[%broadcast_in_dim3A_9, %parallel_loop3A_81] : memref<8x2048xf32, #tpu.memory_space<vmem>>[vector<16xi32>, vector<16xi32>], vector<16xf32>,
      %parallel_loop3A_98 = arith.constant 3 : i32
      %parallel_loop3A_99 = arith.index_cast %parallel_loop3A_98 : i32 to index
      %parallel_loop3A_100 = arith.index_cast %parallel_loop3A_79 : i32 to index
      %parallel_loop3A_101 = tpu.vector_load %arg9[%parallel_loop3A_99, %parallel_loop3A_100] {strides = array<i32>} : memref<8x2048xf32, #tpu.memory_space<vmem>>, vector<16xf32>,
      tpu.vector_store %arg9[%parallel_loop3A_99, %parallel_loop3A_100], %parallel_loop3A_97 {strides = array<i32>} : memref<8x2048xf32, #tpu.memory_space<vmem>>, vector<16xf32>,
      %parallel_loop3A_102 = tpu.vector_load_idx %arg6[%broadcast_in_dim3A_11, %parallel_loop3A_81] : memref<8x2048xf32, #tpu.memory_space<vmem>>[vector<16xi32>, vector<16xi32>], vector<16xf32>,
      %parallel_loop3A_103 = arith.constant 4 : i32
      %parallel_loop3A_104 = arith.index_cast %parallel_loop3A_103 : i32 to index
      %parallel_loop3A_105 = arith.index_cast %parallel_loop3A_79 : i32 to index
      %parallel_loop3A_106 = tpu.vector_load %arg9[%parallel_loop3A_104, %parallel_loop3A_105] {strides = array<i32>} : memref<8x2048xf32, #tpu.memory_space<vmem>>, vector<16xf32>,
      tpu.vector_store %arg9[%parallel_loop3A_104, %parallel_loop3A_105], %parallel_loop3A_102 {strides = array<i32>} : memref<8x2048xf32, #tpu.memory_space<vmem>>, vector<16xf32>,
      %parallel_loop3A_107 = tpu.vector_load_idx %arg6[%broadcast_in_dim3A_13, %parallel_loop3A_81] : memref<8x2048xf32, #tpu.memory_space<vmem>>[vector<16xi32>, vector<16xi32>], vector<16xf32>,
      %parallel_loop3A_108 = arith.constant 5 : i32
      %parallel_loop3A_109 = arith.index_cast %parallel_loop3A_108 : i32 to index
      %parallel_loop3A_110 = arith.index_cast %parallel_loop3A_79 : i32 to index
      %parallel_loop3A_111 = tpu.vector_load %arg9[%parallel_loop3A_109, %parallel_loop3A_110] {strides = array<i32>} : memref<8x2048xf32, #tpu.memory_space<vmem>>, vector<16xf32>,
      tpu.vector_store %arg9[%parallel_loop3A_109, %parallel_loop3A_110], %parallel_loop3A_107 {strides = array<i32>} : memref<8x2048xf32, #tpu.memory_space<vmem>>, vector<16xf32>,
      %parallel_loop3A_112 = tpu.vector_load_idx %arg6[%broadcast_in_dim3A_15, %parallel_loop3A_81] : memref<8x2048xf32, #tpu.memory_space<vmem>>[vector<16xi32>, vector<16xi32>], vector<16xf32>,
      %parallel_loop3A_113 = arith.constant 6 : i32
      %parallel_loop3A_114 = arith.index_cast %parallel_loop3A_113 : i32 to index
      %parallel_loop3A_115 = arith.index_cast %parallel_loop3A_79 : i32 to index
      %parallel_loop3A_116 = tpu.vector_load %arg9[%parallel_loop3A_114, %parallel_loop3A_115] {strides = array<i32>} : memref<8x2048xf32, #tpu.memory_space<vmem>>, vector<16xf32>,
      tpu.vector_store %arg9[%parallel_loop3A_114, %parallel_loop3A_115], %parallel_loop3A_112 {strides = array<i32>} : memref<8x2048xf32, #tpu.memory_space<vmem>>, vector<16xf32>,
      %parallel_loop3A_117 = tpu.vector_load_idx %arg6[%broadcast_in_dim3A_17, %parallel_loop3A_81] : memref<8x2048xf32, #tpu.memory_space<vmem>>[vector<16xi32>, vector<16xi32>], vector<16xf32>,
      %parallel_loop3A_118 = arith.constant 7 : i32
      %parallel_loop3A_119 = arith.index_cast %parallel_loop3A_118 : i32 to index
      %parallel_loop3A_120 = arith.index_cast %parallel_loop3A_79 : i32 to index
      %parallel_loop3A_121 = tpu.vector_load %arg9[%parallel_loop3A_119, %parallel_loop3A_120] {strides = array<i32>} : memref<8x2048xf32, #tpu.memory_space<vmem>>, vector<16xf32>,
      tpu.vector_store %arg9[%parallel_loop3A_119, %parallel_loop3A_120], %parallel_loop3A_117 {strides = array<i32>} : memref<8x2048xf32, #tpu.memory_space<vmem>>, vector<16xf32>,
    } {sc.loop_unroll_factor = 4 : i64, sc.parallel_access}
    %add3A_44 = arith.constant 240 : i32
    %add3A_45 = arith.addi %mul3A_2, %add3A_44 : i32
    %dma_start3A_46 = arith.constant 0 : i32
    %dma_start3A_47 = tpu.memref_slice %arg4[%add3A_45, %dma_start3A_46] : memref<8192x2048xf32, #tpu.memory_space<hbm>> -> memref<8x2048xf32, #tpu.memory_space<hbm>>
    %dma_start3A_48 = arith.constant 0 : i32
    %dma_start3A_49 = tpu.memref_slice %arg4[%add3A_45, %dma_start3A_48] : memref<8192x2048xf32, #tpu.memory_space<hbm>> -> memref<8x2048xf32, #tpu.memory_space<hbm>>
    tpu.enqueue_dma source(%arg9 : memref<8x2048xf32, #tpu.memory_space<vmem>>) target(%dma_start3A_49 : memref<8x2048xf32, #tpu.memory_space<hbm>>) target_semaphore(%arg15 : memref<!tpu.dma_semaphore, #tpu.memory_space<semaphore_mem>>)
    %dma_wait3A_50 = arith.constant 0 : i32
    %dma_wait3A_51 = tpu.memref_slice %arg2[%mul3A_2, %dma_wait3A_50] : memref<8192x2048xf32, #tpu.memory_space<hbm>> -> memref<8x2048xf32, #tpu.memory_space<hbm>>
    %dma_wait3A_52 = arith.constant 0 : i32
    %dma_wait3A_53 = tpu.memref_slice %arg2[%mul3A_2, %dma_wait3A_52] : memref<8192x2048xf32, #tpu.memory_space<hbm>> -> memref<8x2048xf32, #tpu.memory_space<hbm>>
    tpu.wait_dma2 semaphore(%arg13 : memref<!tpu.dma_semaphore, #tpu.memory_space<semaphore_mem>>) src(%dma_wait3A_53 : memref<8x2048xf32, #tpu.memory_space<hbm>>) dst(%arg7 : memref<8x2048xf32, #tpu.memory_space<vmem>>)
    %dma_wait3A_54 = arith.constant 0 : i32
    %dma_wait3A_55 = tpu.memref_slice %arg4[%mul3A_2, %dma_wait3A_54] : memref<8192x2048xf32, #tpu.memory_space<hbm>> -> memref<8x2048xf32, #tpu.memory_space<hbm>>
    %dma_wait3A_56 = arith.constant 0 : i32
    %dma_wait3A_57 = tpu.memref_slice %arg4[%mul3A_2, %dma_wait3A_56] : memref<8192x2048xf32, #tpu.memory_space<hbm>> -> memref<8x2048xf32, #tpu.memory_space<hbm>>
    tpu.wait_dma2 semaphore(%arg16 : memref<!tpu.dma_semaphore, #tpu.memory_space<semaphore_mem>>) src(%arg10 : memref<8x2048xf32, #tpu.memory_space<vmem>>) dst(%dma_wait3A_57 : memref<8x2048xf32, #tpu.memory_space<hbm>>)
    %parallel_loop3A_58 = arith.constant 0 : i32
    %parallel_loop3A_59 = arith.constant 2048 : i32
    %parallel_loop3A_60 = arith.constant 16 : i32
    scf.for %parallel_loop3A_79 = %parallel_loop3A_58 to %parallel_loop3A_59 step %parallel_loop3A_60  : i32 {
      %parallel_loop3A_80 = arith.index_cast %parallel_loop3A_79 : i32 to index
      %parallel_loop3A_81 = tpu.vector_load %arg5[%parallel_loop3A_80] {strides = array<i32>} : memref<2048xi32, #tpu.memory_space<vmem>>, vector<16xi32>,
      %parallel_loop3A_82 = tpu.vector_load_idx %arg7[%broadcast_in_dim3A_3, %parallel_loop3A_81] : memref<8x2048xf32, #tpu.memory_space<vmem>>[vector<16xi32>, vector<16xi32>], vector<16xf32>,
      %parallel_loop3A_83 = arith.constant 0 : i32
      %parallel_loop3A_84 = arith.index_cast %parallel_loop3A_83 : i32 to index
      %parallel_loop3A_85 = arith.index_cast %parallel_loop3A_79 : i32 to index
      %parallel_loop3A_86 = tpu.vector_load %arg10[%parallel_loop3A_84, %parallel_loop3A_85] {strides = array<i32>} : memref<8x2048xf32, #tpu.memory_space<vmem>>, vector<16xf32>,
      tpu.vector_store %arg10[%parallel_loop3A_84, %parallel_loop3A_85], %parallel_loop3A_82 {strides = array<i32>} : memref<8x2048xf32, #tpu.memory_space<vmem>>, vector<16xf32>,
      %parallel_loop3A_87 = tpu.vector_load_idx %arg7[%broadcast_in_dim3A_5, %parallel_loop3A_81] : memref<8x2048xf32, #tpu.memory_space<vmem>>[vector<16xi32>, vector<16xi32>], vector<16xf32>,
      %parallel_loop3A_88 = arith.constant 1 : i32
      %parallel_loop3A_89 = arith.index_cast %parallel_loop3A_88 : i32 to index
      %parallel_loop3A_90 = arith.index_cast %parallel_loop3A_79 : i32 to index
      %parallel_loop3A_91 = tpu.vector_load %arg10[%parallel_loop3A_89, %parallel_loop3A_90] {strides = array<i32>} : memref<8x2048xf32, #tpu.memory_space<vmem>>, vector<16xf32>,
      tpu.vector_store %arg10[%parallel_loop3A_89, %parallel_loop3A_90], %parallel_loop3A_87 {strides = array<i32>} : memref<8x2048xf32, #tpu.memory_space<vmem>>, vector<16xf32>,
      %parallel_loop3A_92 = tpu.vector_load_idx %arg7[%broadcast_in_dim3A_7, %parallel_loop3A_81] : memref<8x2048xf32, #tpu.memory_space<vmem>>[vector<16xi32>, vector<16xi32>], vector<16xf32>,
      %parallel_loop3A_93 = arith.constant 2 : i32
      %parallel_loop3A_94 = arith.index_cast %parallel_loop3A_93 : i32 to index
      %parallel_loop3A_95 = arith.index_cast %parallel_loop3A_79 : i32 to index
      %parallel_loop3A_96 = tpu.vector_load %arg10[%parallel_loop3A_94, %parallel_loop3A_95] {strides = array<i32>} : memref<8x2048xf32, #tpu.memory_space<vmem>>, vector<16xf32>,
      tpu.vector_store %arg10[%parallel_loop3A_94, %parallel_loop3A_95], %parallel_loop3A_92 {strides = array<i32>} : memref<8x2048xf32, #tpu.memory_space<vmem>>, vector<16xf32>,
      %parallel_loop3A_97 = tpu.vector_load_idx %arg7[%broadcast_in_dim3A_9, %parallel_loop3A_81] : memref<8x2048xf32, #tpu.memory_space<vmem>>[vector<16xi32>, vector<16xi32>], vector<16xf32>,
      %parallel_loop3A_98 = arith.constant 3 : i32
      %parallel_loop3A_99 = arith.index_cast %parallel_loop3A_98 : i32 to index
      %parallel_loop3A_100 = arith.index_cast %parallel_loop3A_79 : i32 to index
      %parallel_loop3A_101 = tpu.vector_load %arg10[%parallel_loop3A_99, %parallel_loop3A_100] {strides = array<i32>} : memref<8x2048xf32, #tpu.memory_space<vmem>>, vector<16xf32>,
      tpu.vector_store %arg10[%parallel_loop3A_99, %parallel_loop3A_100], %parallel_loop3A_97 {strides = array<i32>} : memref<8x2048xf32, #tpu.memory_space<vmem>>, vector<16xf32>,
      %parallel_loop3A_102 = tpu.vector_load_idx %arg7[%broadcast_in_dim3A_11, %parallel_loop3A_81] : memref<8x2048xf32, #tpu.memory_space<vmem>>[vector<16xi32>, vector<16xi32>], vector<16xf32>,
      %parallel_loop3A_103 = arith.constant 4 : i32
      %parallel_loop3A_104 = arith.index_cast %parallel_loop3A_103 : i32 to index
      %parallel_loop3A_105 = arith.index_cast %parallel_loop3A_79 : i32 to index
      %parallel_loop3A_106 = tpu.vector_load %arg10[%parallel_loop3A_104, %parallel_loop3A_105] {strides = array<i32>} : memref<8x2048xf32, #tpu.memory_space<vmem>>, vector<16xf32>,
      tpu.vector_store %arg10[%parallel_loop3A_104, %parallel_loop3A_105], %parallel_loop3A_102 {strides = array<i32>} : memref<8x2048xf32, #tpu.memory_space<vmem>>, vector<16xf32>,
      %parallel_loop3A_107 = tpu.vector_load_idx %arg7[%broadcast_in_dim3A_13, %parallel_loop3A_81] : memref<8x2048xf32, #tpu.memory_space<vmem>>[vector<16xi32>, vector<16xi32>], vector<16xf32>,
      %parallel_loop3A_108 = arith.constant 5 : i32
      %parallel_loop3A_109 = arith.index_cast %parallel_loop3A_108 : i32 to index
      %parallel_loop3A_110 = arith.index_cast %parallel_loop3A_79 : i32 to index
      %parallel_loop3A_111 = tpu.vector_load %arg10[%parallel_loop3A_109, %parallel_loop3A_110] {strides = array<i32>} : memref<8x2048xf32, #tpu.memory_space<vmem>>, vector<16xf32>,
      tpu.vector_store %arg10[%parallel_loop3A_109, %parallel_loop3A_110], %parallel_loop3A_107 {strides = array<i32>} : memref<8x2048xf32, #tpu.memory_space<vmem>>, vector<16xf32>,
      %parallel_loop3A_112 = tpu.vector_load_idx %arg7[%broadcast_in_dim3A_15, %parallel_loop3A_81] : memref<8x2048xf32, #tpu.memory_space<vmem>>[vector<16xi32>, vector<16xi32>], vector<16xf32>,
      %parallel_loop3A_113 = arith.constant 6 : i32
      %parallel_loop3A_114 = arith.index_cast %parallel_loop3A_113 : i32 to index
      %parallel_loop3A_115 = arith.index_cast %parallel_loop3A_79 : i32 to index
      %parallel_loop3A_116 = tpu.vector_load %arg10[%parallel_loop3A_114, %parallel_loop3A_115] {strides = array<i32>} : memref<8x2048xf32, #tpu.memory_space<vmem>>, vector<16xf32>,
      tpu.vector_store %arg10[%parallel_loop3A_114, %parallel_loop3A_115], %parallel_loop3A_112 {strides = array<i32>} : memref<8x2048xf32, #tpu.memory_space<vmem>>, vector<16xf32>,
      %parallel_loop3A_117 = tpu.vector_load_idx %arg7[%broadcast_in_dim3A_17, %parallel_loop3A_81] : memref<8x2048xf32, #tpu.memory_space<vmem>>[vector<16xi32>, vector<16xi32>], vector<16xf32>,
      %parallel_loop3A_118 = arith.constant 7 : i32
      %parallel_loop3A_119 = arith.index_cast %parallel_loop3A_118 : i32 to index
      %parallel_loop3A_120 = arith.index_cast %parallel_loop3A_79 : i32 to index
      %parallel_loop3A_121 = tpu.vector_load %arg10[%parallel_loop3A_119, %parallel_loop3A_120] {strides = array<i32>} : memref<8x2048xf32, #tpu.memory_space<vmem>>, vector<16xf32>,
      tpu.vector_store %arg10[%parallel_loop3A_119, %parallel_loop3A_120], %parallel_loop3A_117 {strides = array<i32>} : memref<8x2048xf32, #tpu.memory_space<vmem>>, vector<16xf32>,
    } {sc.loop_unroll_factor = 4 : i64, sc.parallel_access}
    %add3A_61 = arith.constant 248 : i32
    %add3A_62 = arith.addi %mul3A_2, %add3A_61 : i32
    %dma_start3A_63 = arith.constant 0 : i32
    %dma_start3A_64 = tpu.memref_slice %arg4[%add3A_62, %dma_start3A_63] : memref<8192x2048xf32, #tpu.memory_space<hbm>> -> memref<8x2048xf32, #tpu.memory_space<hbm>>
    %dma_start3A_65 = arith.constant 0 : i32
    %dma_start3A_66 = tpu.memref_slice %arg4[%add3A_62, %dma_start3A_65] : memref<8192x2048xf32, #tpu.memory_space<hbm>> -> memref<8x2048xf32, #tpu.memory_space<hbm>>
    tpu.enqueue_dma source(%arg10 : memref<8x2048xf32, #tpu.memory_space<vmem>>) target(%dma_start3A_66 : memref<8x2048xf32, #tpu.memory_space<hbm>>) target_semaphore(%arg16 : memref<!tpu.dma_semaphore, #tpu.memory_space<semaphore_mem>>)
    %dma_wait3A_67 = arith.constant 0 : i32
    %dma_wait3A_68 = tpu.memref_slice %arg4[%mul3A_2, %dma_wait3A_67] : memref<8192x2048xf32, #tpu.memory_space<hbm>> -> memref<8x2048xf32, #tpu.memory_space<hbm>>
    %dma_wait3A_69 = arith.constant 0 : i32
    %dma_wait3A_70 = tpu.memref_slice %arg4[%mul3A_2, %dma_wait3A_69] : memref<8192x2048xf32, #tpu.memory_space<hbm>> -> memref<8x2048xf32, #tpu.memory_space<hbm>>
    tpu.wait_dma2 semaphore(%arg17 : memref<!tpu.dma_semaphore, #tpu.memory_space<semaphore_mem>>) src(%arg11 : memref<8x2048xf32, #tpu.memory_space<vmem>>) dst(%dma_wait3A_70 : memref<8x2048xf32, #tpu.memory_space<hbm>>)
    %dma_wait3A_71 = arith.constant 0 : i32
    %dma_wait3A_72 = tpu.memref_slice %arg4[%mul3A_2, %dma_wait3A_71] : memref<8192x2048xf32, #tpu.memory_space<hbm>> -> memref<8x2048xf32, #tpu.memory_space<hbm>>
    %dma_wait3A_73 = arith.constant 0 : i32
    %dma_wait3A_74 = tpu.memref_slice %arg4[%mul3A_2, %dma_wait3A_73] : memref<8192x2048xf32, #tpu.memory_space<hbm>> -> memref<8x2048xf32, #tpu.memory_space<hbm>>
    tpu.wait_dma2 semaphore(%arg15 : memref<!tpu.dma_semaphore, #tpu.memory_space<semaphore_mem>>) src(%arg9 : memref<8x2048xf32, #tpu.memory_space<vmem>>) dst(%dma_wait3A_74 : memref<8x2048xf32, #tpu.memory_space<hbm>>)
    %dma_wait3A_75 = arith.constant 0 : i32
    %dma_wait3A_76 = tpu.memref_slice %arg4[%mul3A_2, %dma_wait3A_75] : memref<8192x2048xf32, #tpu.memory_space<hbm>> -> memref<8x2048xf32, #tpu.memory_space<hbm>>
    %dma_wait3A_77 = arith.constant 0 : i32
    %dma_wait3A_78 = tpu.memref_slice %arg4[%mul3A_2, %dma_wait3A_77] : memref<8192x2048xf32, #tpu.memory_space<hbm>> -> memref<8x2048xf32, #tpu.memory_space<hbm>>
    tpu.wait_dma2 semaphore(%arg16 : memref<!tpu.dma_semaphore, #tpu.memory_space<semaphore_mem>>) src(%arg10 : memref<8x2048xf32, #tpu.memory_space<vmem>>) dst(%dma_wait3A_78 : memref<8x2048xf32, #tpu.memory_space<hbm>>)
    return
  }
}

</mosaic_0001>

<sc_bundles>
// kernel: kernel.3.cloned.1.call-start
scs
__scs_entry_jumppad:
0x0: {  	(pc) =	sbr.rel $0x88, $3  }
0x1: {  	(tag) =	ssettag $0x0;
	lr =	simm.s32 $0x1  }
0x2: {  	[smem:$0x3F9F] =	sst lr;
	_ =	strace $0xD0000000  }
0x3: {  	_ = 	snop  }
0x4: {  	_ = 	snop  }
0x5: {  	_ = 	snop  }
0x6: {  	_ = 	snop  }
0x7: {  	_ = 	snop  }
__scs_overlays_trampoline_lowered:
0x8: {  	[smem:$0x3FAE] =	sst s0  }
0x9: {  	[smem:$0x3FAF] =	sst s1  }
0xa: {  	[smem:$0x3FB0] =	sst s2  }
0xb: {  	[smem:$0x3FB1] =	sst s3  }
0xc: {  	[smem:$0x3FB2] =	sst s4  }
0xd: {  	[smem:$0x3FB3] =	sst s5  }
0xe: {  	[smem:$0x3FB4] =	sst s6  }
0xf: {  	[smem:$0x3FB5] =	sst s7  }
0x10: {  	[smem:$0x3FB6] =	sst s8  }
0x11: {  	[smem:$0x3FB7] =	sst s9;
	s0 =	simm.s32 @!p0 $0x0  }
0x12: {  	s1 =	sld [smem:$0x3F9D];
	s0 =	simm.s32 @p0 $0x1  }
0x13: {  	[smem:$0x3FB8] =	sst s0;
	s0 =	simm.s32 @!p1 $0x0  }
0x14: {  	s2 =	sld [smem:$0x3F9C];
	s0 =	simm.s32 @p1 $0x1  }
0x15: {  	[smem:$0x3FB9] =	sst s0;
	s0 =	simm.s32 @!p2 $0x0  }
0x16: {  	s3 =	sld [smem:$0x3FDB];
	s0 =	simm.s32 @p2 $0x1  }
0x17: {  	s4 =	simm.s32 $0x1BF5;
	[smem:$0x3FBB] =	sst s0  }
0x18: {  	s0 =	sld [smem:$0x3F9E];
	_ =	swait.ge [sflag:s4], $0x0  }
0x19: {  	s7 =	sld [smem:$0x3F9F]  }
0x1a: {  	s8 =	sadd.s32 $0xFFFFE003, lr  }
0x1b: {  	s9 =	sadd.s32 $0xFFFFFEF7, lr;
	s5 =	simm.s32 $0xFFFFFFFF;
	p2 =	slt.u32 s8, $0xFFFFF086  }
0x1c: {  	p1 =	slt.u32 s9, $0xF7A;
	s5 =	simm.s32 @!p2 $0x0  }
0x1d: {  	s5 =	simm.s32 @p1 $0x1;
	p0 =	seq.s32 s7, s2  }
0x1e: {  	s7 =	smul.u32 @!p0 $0xF7A, s2;
	p2 =	seq.s32 @!p0 s5, $0x0  }
0x1f: {  	s9 =	smul.u32 $0xF7A, s1;
	s8 =	simm.s32 @!p0 $0x1BF5;
	p2 =	por !p2, p0  }
0x20: {  	[sflag:s8] =	ssyncset.s32 @!p0 $0xFFFFF086;
	s6 =	sadd.s32 @!p0 s3, s7;
	s7 =	simm.s32 @!p0 $0x108  }
0x21: {  	s3 =	sadd.s32 s3, s9;
	s6 =	sadd.s32 @!p0 $0x88, s6;
	s7 =	simm.s32 @p2 $0x1082  }
0x22: {  	[simem:s7], [sflag:s8] =	dma.local @!p0 [hbm:s6], $0xF7A  }
0x23: {  	s9 =	sor.u32 $0xD0000000, s2;
	s6 =	simm.s32 $0x108;
	_ =	swait.ge @!p0 [sflag:s8], $0x0  }
0x24: {  	s3 =	sadd.s32 $0x88, s3;
	s6 =	simm.s32 @!p1 $0x1082;
	[sflag:s4] =	ssyncset.s32 $0xFFFFF086  }
0x25: {  	[simem:s6], [sflag:s4] =	dma.local [hbm:s3], $0xF7A  }
0x26: {  	[smem:$0x3F9F] =	sst s1;
	(tag) =	ssettag s2;
	_ =	strace s9  }
0x27: {  	s1 =	sld [smem:$0x3FAF]  }
0x28: {  	s2 =	sld [smem:$0x3FB0]  }
0x29: {  	s4 =	sld [smem:$0x3FB2]  }
0x2a: {  	p0 =	seq.s32 s5, $0x0;
	s5 =	sld [smem:$0x3FB3]  }
0x2b: {  	s6 =	sld [smem:$0x3FB4]  }
0x2c: {  	s7 =	sld [smem:$0x3FB5]  }
0x2d: {  	s3 =	simm.s32 $0x108;
	s8 =	sld [smem:$0x3FB6]  }
0x2e: {  	s3 =	simm.s32 @!p0 $0x1082;
	s9 =	sld [smem:$0x3FB7]  }
0x2f: {  	lr =	sadd.s32 s0, s3;
	s0 =	sld [smem:$0x3FAE]  }
0x30: {  	s3 =	sld [smem:$0x3FB1]  }
0x31: {  	[smem:$0x3FBA] =	sst s10  }
0x32: {  	s10 =	sld [smem:$0x3FB8];
	_ =	sdelay $0x3  }
0x33: {  	p0 =	seq.s32 s10, $0x1;
	s10 =	sld [smem:$0x3FBA];
	_ =	sdelay $0x3  }
0x34: {  	[smem:$0x3FBA] =	sst s10  }
0x35: {  	s10 =	sld [smem:$0x3FB9];
	_ =	sdelay $0x3  }
0x36: {  	p1 =	seq.s32 s10, $0x1;
	s10 =	sld [smem:$0x3FBA];
	_ =	sdelay $0x3  }
0x37: {  	[smem:$0x3FBA] =	sst s10  }
0x38: {  	s10 =	sld [smem:$0x3FBB]  }
0x39: {  	_ = 	snop;
	(pc) =	sbr.ind lr, $3  }
0x3a: {  	_ = 	snop  }
0x3b: {  	_ = 	snop  }
0x3c: {  	p2 =	seq.s32 s10, $0x1;
	s10 =	sld [smem:$0x3FBA]  }
0x3d: {  	_ =	shalt  }
0x3e: {  	_ =	shalt  }
0x3f: {  	_ =	shalt  }
0x40: {  	_ =	shalt  }
0x41: {  	_ =	shalt  }
0x42: {  	_ =	shalt  }
0x43: {  	_ =	shalt  }
0x44: {  	_ =	shalt  }
0x45: {  	_ =	shalt  }
0x46: {  	_ =	shalt  }
0x47: {  	_ =	shalt  }
0x48: {  	_ =	shalt  }
0x49: {  	_ =	shalt  }
0x4a: {  	_ =	shalt  }
0x4b: {  	_ =	shalt  }
0x4c: {  	_ =	shalt  }
0x4d: {  	_ =	shalt  }
0x4e: {  	_ =	shalt  }
0x4f: {  	_ =	shalt  }
0x50: {  	_ =	shalt  }
0x51: {  	_ =	shalt  }
0x52: {  	_ =	shalt  }
0x53: {  	_ =	shalt  }
0x54: {  	_ =	shalt  }
0x55: {  	_ =	shalt  }
0x56: {  	_ =	shalt  }
0x57: {  	_ =	shalt  }
0x58: {  	_ =	shalt  }
0x59: {  	_ =	shalt  }
0x5a: {  	_ =	shalt  }
0x5b: {  	_ =	shalt  }
0x5c: {  	_ =	shalt  }
0x5d: {  	_ =	shalt  }
0x5e: {  	_ =	shalt  }
0x5f: {  	_ =	shalt  }
0x60: {  	_ =	shalt  }
0x61: {  	_ =	shalt  }
0x62: {  	_ =	shalt  }
0x63: {  	_ =	shalt  }
0x64: {  	_ =	shalt  }
0x65: {  	_ =	shalt  }
0x66: {  	_ =	shalt  }
0x67: {  	_ =	shalt  }
0x68: {  	_ =	shalt  }
0x69: {  	_ =	shalt  }
0x6a: {  	_ =	shalt  }
0x6b: {  	_ =	shalt  }
0x6c: {  	_ =	shalt  }
0x6d: {  	_ =	shalt  }
0x6e: {  	_ =	shalt  }
0x6f: {  	_ =	shalt  }
0x70: {  	_ =	shalt  }
0x71: {  	_ =	shalt  }
0x72: {  	_ =	shalt  }
0x73: {  	_ =	shalt  }
0x74: {  	_ =	shalt  }
0x75: {  	_ =	shalt  }
0x76: {  	_ =	shalt  }
0x77: {  	_ =	shalt  }
0x78: {  	_ =	shalt  }
0x79: {  	_ =	shalt  }
0x7a: {  	_ =	shalt  }
0x7b: {  	_ =	shalt  }
0x7c: {  	_ =	shalt  }
0x7d: {  	_ =	shalt  }
0x7e: {  	_ =	shalt  }
0x7f: {  	_ =	shalt  }
0x80: {  	_ =	shalt  }
0x81: {  	_ =	shalt  }
0x82: {  	_ =	shalt  }
0x83: {  	_ =	shalt  }
0x84: {  	_ =	shalt  }
0x85: {  	_ =	shalt  }
0x86: {  	_ =	shalt  }
0x87: {  	_ =	shalt  }
.Lfunc_end0:
.L_simem_size_0:
called_computation_lowered:
.L_overlay_start_0:
0x88: {  	s2 =	sld [smem:$0x3FD9]  }
0x89: {  	s3 =	sld [smem:$0x3FFE];
	_ =	sdelay $0x1  }
0x8a: {  	s1 =	srdreg.scid  }
0x8b: {  	s0 =	sand.u32 $0x1, s1  }
0x8c: {  	s18 =	sshll.u32 s0, $0xA;
	s2 =	sadd.s32 s3, s2  }
0x8d: {  	s2 =	sadd.s32 s2, s18  }
0x8e: {  	[smem:$0x3FC6] =	sst s2  }
0x8f: {  	_ = 	snop  }
0x90: {  	s2 =	sld [smem:$0x3FC9]  }
0x91: {  	s19 =	sld [smem:$0x3FC8]  }
0x92: {  	s4 =	sld [smem:$0x3FD0];
	(tm) =	ssettm $0x1  }
0x93: {  	s5 =	sld [smem:$0x3FFB];
	_ =	sdelay $0x3  }
0x94: {  	_ =	strace s5  }
0x95: {  	s5 =	sld [smem:$0x3FFC];
	_ =	sdelay $0x3  }
0x96: {  	_ =	strace s5  }
0x97: {  	s5 =	sld [smem:$0x3FFD];
	_ =	sdelay $0x3  }
0x98: {  	_ =	strace s5  }
0x99: {  	_ =	strace $0x8FFFFFFF  }
0x9a: {  	s20 =	sld [smem:$0x3FDB];
	_ =	sdelay $0x1  }
0x9b: {  	s6 =	simm.s32 $_scs_section_size  }
0x9c: {  	s7 =	simm.s32 $_size__tile_overlayer_lowered;
	s8 =	simm.s32 $_tile_overlayer_lowered  }
0x9d: {  	s23 =	simm.s32 $0x1BFF;
	s22 =	sshll.u32 s8, $0x1;
	s5 =	sadd.s32 s6, s20  }
0x9e: {  	s9 =	simm.s32 $0x0;
	s21 =	sshll.u32 s7, $0x1;
	s7 =	sadd.s32 s22, s5  }
0x9f: {  	[timem:s9], [sflag:s23] =	dma.local [hbm:s7], s21  }
0xa0: {  	_ =	swait.ge [sflag:s23], s21  }
0xa1: {  	s6 =	ssub.s32 $0x0, s21;
	[sflag:s23] =	ssyncset.done $0x0  }
0xa2: {  	[sflag:s23] =	ssyncadd.s32 s6;
	_ =	sdelay $0x1  }
0xa3: {  	s24 =	simm.s32 $0x1B8B  }
0xa4: {  	_ =	swait.ge [sflag:s24], $0x1  }
0xa5: {  	[sflag:s24] =	ssyncset.done $0x0  }
0xa6: {  	s25 =	simm.s32 $0x1B8E;
	[sflag:s24] =	ssyncadd.s32 $0xFFFFFFFF  }
0xa7: {  	s26 =	simm.s32 $execute0_lowered;
	[smem:$0x3FD2] =	sst s25  }
0xa8: {  	s6 =	sshll.u32 s26, $0x1;
	_ =	strace $0x80000046;
	[dreg:$0x1] =	wrdreg $0xFFFFFFFF  }
0xa9: {  	s28 =	simm.s32 $_size_execute0_lowered;
	s5 =	sadd.s32 s5, s6;
	[dreg:$0x0] =	wrdreg $0x0  }
0xaa: {  	s6 =	sshll.u32 s28, $0x1;
	[dreg:$0x2] =	wrdreg s5  }
0xab: {  	[dreg:$0x3] =	wrdreg s6  }
0xac: {  	[dreg:$0x4] =	wrdreg $0xC0  }
0xad: {  	_ =	task [dreg:s9], $0x5FFFF  }
0xae: {  	[dreg:$0x1] =	wrdreg $0xFFFFFFFF  }
0xaf: {  	[dreg:$0x0] =	wrdreg $0x60  }
0xb0: {  	[dreg:$0x2] =	wrdreg s2  }
0xb1: {  	[dreg:$0x3] =	wrdreg s19  }
0xb2: {  	[dreg:$0x4] =	wrdreg s4  }
0xb3: {  	[dreg:$0x5] =	wrdreg $0x9  }
0xb4: {  	_ =	task.clear_ibuf [dreg:s9], $0x6FFFF;
	_ =	strace $0x90000046  }
0xb5: {  	s29 =	simm.s32 $0x9;
	_ =	strace $0x80000048  }
0xb6: {  	_ =	swait.ge [sflag:s29], $0x1  }
0xb7: {  	[sflag:s29] =	ssyncadd.s32 $0xFFFFFFFF  }
0xb8: {  	_ =	strace $0x90000048  }
0xb9: {  	_ =	sfence  }
0xba: {  	s30 =	sld [smem:$0x0];
	_ =	sdelay $0x2  }
0xbb: {  	s31 =	sshll.u32 s1, $0xD;
	s1 =	sshrl.u32 s1, $0x2  }
0xbc: {  	s3 =	sand.u32 $0x4000, s31;
	s1 =	sadd.s32 s1, s30  }
0xbd: {  	s0 =	sor.u32 s3, s0;
	s1 =	sshll.u32 s1, $0x11  }
0xbe: {  	s0 =	sor.u32 s1, s0  }
0xbf: {  	s0 =	sadd.s32 $0x8F2B, s0  }
0xc0: {  	[sflag:s0] =	ssyncadd.remote.s32 $0x1  }
0xc1: {  	_ =	sfence.sel $0xFFFF  }
0xc2: {  	[dreg:$0x0] =	wrdreg $0xFFFFFFFF;
	(pc) =	sbr.abs _section_cstart, $3  }
0xc3: {  	[dreg:$0x1] =	wrdreg $0xFFFFFFFF  }
0xc4: {  	_ =	task.clear_ibuf [dreg:s9], $0x2FFFF;
	_ =	strace $0x9FFFFFFF  }
0xc5: {  	(tm) =	ssettm $0x7FFFFFFF  }
tec
execute0_lowered:
.L_overlay_start_1:
0x0: {  	(tag) =	ssettag $0x1  }
0x1: {  	s0 =	srdreg.scid  }
0x2: {  	s3 =	rddreg [dreg:$0x0];
	s1 =	stileid.u32;
	s0 =	sand.u32 $0x1, s0  }
0x3: {  	s5 =	simm.s32 $0x0;
	s1 =	sshll.u32 s1, $0x9;
	s2 =	sshll.u32 s0, $0x8  }
0x4: {  	[smem:$0x7FF] =	sst s5;
	s6 =	sor.u32 s2, s1  }
0x5: {  	s4 =	rddreg [dreg:$0x2];
	_ =	strace $0x80000047;
	s1 =	sshll.u32 s6, $0x8  }
0x6: {  	[dreg:$0x4] =	wrdreg s6;
	s24 =	sshrl.u32 s6, $0x3;
	s7 =	sadd.s32 s3, s1  }
0x7: {  	s17 =	simm.s32 $0x800;
	s26 =	sor.u32 $0x2, s24;
	[dreg:$0x5] =	wrdreg s7  }
0x8: {  	s0 =	ssub.s32 $0x2, s0;
	s28 =	sor.u32 $0x3, s24;
	[dreg:$0x7] =	wrdreg s26  }
0x9: {  	s23 =	sshrl.u32 s0, $0x1;
	s29 =	sor.u32 $0x1, s24;
	[dreg:$0x8] =	wrdreg s28  }
0xa: {  	s0 =	ssub.s32 s0, s23;
	s30 =	sor.u32 $0x4, s24;
	[dreg:$0x9] =	wrdreg s29  }
0xb: {  	s18 =	simm.s32 $0x4800;
	s0 =	smax.u32 s0, $0x1;
	[dreg:$0xa] =	wrdreg s30  }
0xc: {  	s1 =	sadd.s32 s1, s4;
	s25 =	sadd.s32 $0x800, s7;
	[dreg:$0xd] =	wrdreg s0  }
0xd: {  	s19 =	simm.s32 $0x8800;
	s31 =	sadd.s32 $0xF000, s1;
	[dreg:$0x6] =	wrdreg s25  }
0xe: {  	s20 =	simm.s32 $0x1;
	s1 =	sadd.s32 $0xF800, s1;
	[dreg:$0xb] =	wrdreg s31  }
0xf: {  	s22 =	simm.s32 $0x2;
	[dreg:$0xc] =	wrdreg s1;
	s1 =	simm.s32 $0x0  }
.LBB2_1:
0x10: {  	[dreg:$0xe] =	wrdreg s1  }
0x11: {  	s0 =	rddreg [dreg:$0x1];
	s28 =	simm.s32 $0x7  }
0x12: {  	[tilespmem:s5], [sflag:$0x7] =	stream.linear.gather [hbm4b:s0+s5], $0x800, $0x38;
	[tilespmem:$0x18800] =	vst v63  }
0x13: {  	_ =	swait.ge [sflag:s28], $0x800  }
0x14: {  	[sflag:s28] =	ssyncset.done $0x0  }
0x15: {  	s29 =	rddreg [dreg:$0x5];
	[sflag:s28] =	ssyncadd.s32 $0xFFFFF800  }
0x16: {  	[tilespmem:s17], [sflag:$0x1] =	stream.linear.gather [hbm4b:s29+s5], $0x4000, $0x38;
	[tilespmem:$0x18800] =	vst v63  }
0x17: {  	s31 =	simm.s32 $0x0;
	s30 =	rddreg [dreg:$0x6]  }
0x18: {  	[tilespmem:s18], [sflag:$0x2] =	stream.linear.gather [hbm4b:s30+s5], $0x4000, $0x38;
	[tilespmem:$0x18800] =	vst v63  }
.LBB2_2:
0x19: {  	s2 =	smul.u32 $0x3, s31  }
0x1a: {  	s0 =	rddreg [dreg:$0x7]  }
0x1b: {  	s0 =	sadd.s32 s0, s2  }
0x1c: {  	s1 =	rddreg [dreg:$0x0];
	s0 =	sshll.u32 s0, $0xB  }
0x1d: {  	s1 =	sadd.s32 s1, s0  }
0x1e: {  	[tilespmem:s19], [sflag:$0x3] =	stream.linear.gather [hbm4b:s1+s5], $0x4000, $0x38;
	[tilespmem:$0x18800] =	vst v63  }
0x1f: {  	_ =	swait.ge [sflag:s20], $0x4000  }
0x20: {  	p0 =	seq.s32 s31, $0x0;
	[sflag:s20] =	ssyncset.done $0x0  }
0x21: {  	s3 =	simm.s32 $0x0;
	s1 =	simm.s32 @!p0 $0x4;
	[sflag:s20] =	ssyncadd.s32 $0xFFFFC000  }
0x22: {  	s4 =	sand.u32 $0x40, s3;
	_ =	swait.ge @!p0 [sflag:s1], $0x4000  }
0x23: {  	s3 =	sand.u32 $0x780, s3;
	s6 =	sor.u32 $0x30, s4;
	[sflag:s1] =	ssyncset.done @!p0 $0x0  }
0x24: {  	s21 =	sor.u32 s6, s3;
	[sflag:s1] =	ssyncadd.s32 @!p0 $0xFFFFC000  }
0x25: {  	s7 =	simm.s32 $0x0;
	v0 =	vld [tilespmem:s21+$0x0]  }
0x26: {  	s23 =	sor.u32 $0x10, s4;
	v1 =	vld [tilespmem:s7+$0x0]  }
0x27: {  	s9 =	sor.u32 $0x20, s4;
	s8 =	sor.u32 s23, s3  }
0x28: {  	s3 =	sor.u32 s9, s3;
	v2 =	vld [tilespmem:s8+$0x0]  }
0x29: {  	v3 =	vld [tilespmem:s3+$0x0]  }
0x2a: {  	v4 =	vshll.u32 v0, $0x3  }
0x2b: {  	v5 =	vshll.u32 v1, $0x3;
	v0 =	vand.u32 $0x7F, v0;
	v4 =	vand.u32 $0xFFFFFC00, v4  }
0x2c: {  	v1 =	vand.u32 $0x7F, v1;
	v6 =	vand.u32 $0xFFFFFC00, v5;
	v5 =	vor.u32 v0, v4  }
0x2d: {  	v0 =	vor.u32 v1, v6;
	v1 =	vshll.u32 v2, $0x3  }
0x2e: {  	v4 =	vshll.u32 v3, $0x3;
	v2 =	vand.u32 $0x7F, v2;
	v1 =	vand.u32 $0xFFFFFC00, v1  }
0x2f: {  	v6 =	vand.u32 $0xFFFFFC00, v4;
	v4 =	vor.u32 v2, v1;
	v1 =	vand.u32 $0x7F, v3  }
0x30: {  	v3 =	vor.u32 v1, v6  }
0x31: {  	v1 =	vld.idx.msk [tilespmem:v5+s17+$0x0], $0xffff  }
0x32: {  	v6 =	vor.u32 $0x80, v5;
	v2 =	vld.idx.msk [tilespmem:v0+s17+$0x0], $0xffff  }
0x33: {  	s24 =	sand.u32 $0x3C00, s7;
	v7 =	vor.u32 $0x80, v0  }
0x34: {  	s3 =	sadd.s32 $0xC800, s24;
	v8 =	vld.idx.msk [tilespmem:v4+s17+$0x0], $0xffff  }
0x35: {  	s6 =	sor.u32 s6, s3;
	v9 =	vor.u32 $0x80, v4;
	v10 =	vld.idx.msk [tilespmem:v3+s17+$0x0], $0xffff  }
0x36: {  	s4 =	sor.u32 s4, s3;
	v11 =	vor.u32 $0x80, v3;
	[tilespmem:s6+$0x0] =	vst v1  }
0x37: {  	[tilespmem:s4+$0x0] =	vst v2;
	v1 =	vld.idx.msk [tilespmem:v6+s17+$0x0], $0xffff  }
0x38: {  	s25 =	sor.u32 s23, s3;
	v2 =	vld.idx.msk [tilespmem:v7+s17+$0x0], $0xffff;
	v6 =	vor.u32 $0x100, v5  }
0x39: {  	s26 =	sor.u32 s9, s3;
	v7 =	vor.u32 $0x100, v0;
	[tilespmem:s25+$0x0] =	vst v8  }
0x3a: {  	v8 =	vld.idx.msk [tilespmem:v9+s17+$0x0], $0xffff;
	[tilespmem:s26+$0x0] =	vst v10  }
0x3b: {  	v9 =	vor.u32 $0x100, v4;
	v10 =	vld.idx.msk [tilespmem:v11+s17+$0x0], $0xffff  }
0x3c: {  	v11 =	vor.u32 $0x100, v3;
	[tilespmem:s6+$0x80] =	vst v1  }
0x3d: {  	[tilespmem:s4+$0x80] =	vst v2;
	v1 =	vld.idx.msk [tilespmem:v6+s17+$0x0], $0xffff  }
0x3e: {  	v2 =	vld.idx.msk [tilespmem:v7+s17+$0x0], $0xffff;
	v6 =	vor.u32 $0x180, v5  }
0x3f: {  	v7 =	vor.u32 $0x180, v0;
	[tilespmem:s25+$0x80] =	vst v8  }
0x40: {  	v8 =	vld.idx.msk [tilespmem:v9+s17+$0x0], $0xffff;
	[tilespmem:s26+$0x80] =	vst v10  }
0x41: {  	s14 =	simm.s32 $0x40;
	s3 =	simm.s32 $0x40;
	v9 =	vor.u32 $0x180, v4;
	v10 =	vld.idx.msk [tilespmem:v11+s17+$0x0], $0xffff  }
0x42: {  	s9 =	sand.u32 $0x40, s3;
	v11 =	vld [tilespmem:s14+$0x0];
	[tilespmem:s6+$0x100] =	vst v1  }
0x43: {  	s15 =	sand.u32 $0x780, s3;
	s13 =	sor.u32 $0x30, s9;
	[tilespmem:s4+$0x100] =	vst v2;
	v1 =	vld.idx.msk [tilespmem:v6+s17+$0x0], $0xffff  }
0x44: {  	s11 =	sor.u32 s13, s15;
	v2 =	vor.u32 $0x180, v3;
	v6 =	vld.idx.msk [tilespmem:v7+s17+$0x0], $0xffff  }
0x45: {  	s10 =	sor.u32 $0x10, s9;
	v7 =	vor.u32 $0x200, v5;
	[tilespmem:s25+$0x100] =	vst v8;
	v8 =	vld [tilespmem:s11+$0x0]  }
0x46: {  	s12 =	sor.u32 $0x20, s9;
	s16 =	sor.u32 s10, s15;
	v9 =	vld.idx.msk [tilespmem:v9+s17+$0x0], $0xffff  }
0x47: {  	s8 =	sor.u32 s12, s15;
	v13 =	vld [tilespmem:s16+$0x0];
	v12 =	vor.u32 $0x200, v4;
	v14 =	vshll.u32 v11, $0x3  }
0x48: {  	v15 =	vld [tilespmem:s8+$0x0];
	[tilespmem:s26+$0x100] =	vst v10;
	v10 =	vor.u32 $0x200, v0;
	v11 =	vand.u32 $0x7F, v11;
	v14 =	vand.u32 $0xFFFFFC00, v14  }
0x49: {  	p1 =	por $0x0, $0x0;
	v16 =	vld.idx.msk [tilespmem:v2+s17+$0x0], $0xffff;
	[tilespmem:s6+$0x180] =	vst v1;
	v1 =	vor.u32 v11, v14;
	s6 =	simm.s32 $0x1  }
0x4a: {  	v11 =	vor.u32 $0x200, v3;
	v7 =	vld.idx.msk [tilespmem:v7+s17+$0x0], $0xffff;
	v2 =	vshll.u32 v8, $0x3;
	s6 =	simm.s32 @!p1 $0x0  }
0x4b: {  	v8 =	vand.u32 $0x7F, v8;
	[tilespmem:s25+$0x180] =	vst v9;
	v2 =	vand.u32 $0xFFFFFC00, v2;
	s6 =	sshll.u32 s6, $0x6;
	v9 =	vor.u32 $0x280, v5  }
0x4c: {  	v14 =	vor.u32 $0x280, v4;
	[tilespmem:s4+$0x180] =	vst v6;
	v6 =	vld.idx.msk [tilespmem:v12+s17+$0x0], $0xffff;
	v12 =	vshll.u32 v13, $0x3;
	v2 =	vor.u32 v8, v2;
	s6 =	sadd.s32 $0x0, s6  }
0x4d: {  	v8 =	vld.idx.msk [tilespmem:v10+s17+$0x0], $0xffff;
	v10 =	vshll.u32 v15, $0x3;
	v13 =	vand.u32 $0x7F, v13;
	v12 =	vand.u32 $0xFFFFFC00, v12;
	s7 =	sadd.s32 $0x30, s6  }
0x4e: {  	v10 =	vand.u32 $0xFFFFFC00, v10;
	[tilespmem:s26+$0x180] =	vst v16;
	v17 =	vld.idx.msk [tilespmem:v1+s17+$0x0], $0xffff;
	v21 =	vor.u32 v13, v12;
	v12 =	vand.u32 $0x7F, v15;
	s21 =	sor.u32 $0x200, s7  }
0x4f: {  	s11 =	sadd.s32 $0x10, s6;
	v11 =	vld.idx.msk [tilespmem:v11+s17+$0x0], $0xffff;
	v10 =	vor.u32 v12, v10;
	[tilespmem:s21+$0xC800] =	vst v7  }
0x50: {  	s23 =	sor.u32 $0x200, s11;
	v7 =	vor.u32 $0x280, v0;
	v9 =	vld.idx.msk [tilespmem:v9+s17+$0x0], $0xffff  }
0x51: {  	s8 =	simm.s32 $0x200;
	s24 =	sor.u32 $0x200, s6;
	v12 =	vor.u32 $0x280, v3;
	v13 =	vld.idx.msk [tilespmem:v2+s17+$0x0], $0xffff;
	[tilespmem:s23+$0xC800] =	vst v6  }
0x52: {  	s25 =	sand.u32 $0x3C00, s8;
	s1 =	sadd.s32 $0x20, s6;
	[tilespmem:s24+$0xC800] =	vst v8;
	v8 =	vor.u32 $0x80, v1;
	v6 =	vld.idx.msk [tilespmem:v14+s17+$0x0], $0xffff  }
0x53: {  	s4 =	sadd.s32 $0xC800, s25;
	s14 =	sor.u32 $0x200, s1;
	v14 =	vor.u32 $0x300, v5;
	v15 =	vld.idx.msk [tilespmem:v21+s17+$0x0], $0xffff  }
0x54: {  	v16 =	vor.u32 $0x80, v2;
	s30 =	sor.u32 s9, s4;
	[tilespmem:s14+$0xC800] =	vst v11;
	v18 =	vld.idx.msk [tilespmem:v10+s17+$0x0], $0xffff  }
0x55: {  	s26 =	sor.u32 $0x280, s7;
	v19 =	vor.u32 $0x80, v21;
	[tilespmem:s30+$0x0] =	vst v17;
	v7 =	vld.idx.msk [tilespmem:v7+s17+$0x0], $0xffff  }
0x56: {  	s25 =	sor.u32 s13, s4;
	v11 =	vor.u32 $0x80, v10;
	v12 =	vld.idx.msk [tilespmem:v12+s17+$0x0], $0xffff;
	[tilespmem:s26+$0xC800] =	vst v9  }
0x57: {  	s13 =	sor.u32 $0x280, s11;
	v9 =	vor.u32 $0x300, v4;
	[tilespmem:s25+$0x0] =	vst v13;
	v8 =	vld.idx.msk [tilespmem:v8+s17+$0x0], $0xffff  }
0x58: {  	s28 =	sor.u32 s10, s4;
	v13 =	vld.idx.msk [tilespmem:v14+s17+$0x0], $0xffff;
	v14 =	vor.u32 $0x300, v3;
	[tilespmem:s13+$0xC800] =	vst v6  }
0x59: {  	s15 =	sor.u32 s12, s4;
	v5 =	vor.u32 $0x380, v5;
	v16 =	vld.idx.msk [tilespmem:v16+s17+$0x0], $0xffff;
	[tilespmem:s28+$0x0] =	vst v15  }
0x5a: {  	v17 =	vor.u32 $0x100, v2;
	s14 =	sor.u32 $0x280, s1;
	v15 =	vld.idx.msk [tilespmem:v19+s17+$0x0], $0xffff;
	[tilespmem:s15+$0x0] =	vst v18  }
0x5b: {  	v19 =	vor.u32 $0x100, v1;
	[tilespmem:s14+$0xC800] =	vst v12;
	v20 =	vld.idx.msk [tilespmem:v11+s17+$0x0], $0xffff  }
0x5c: {  	s16 =	sor.u32 $0x300, s7;
	v6 =	vor.u32 $0x100, v21;
	v22 =	vld.idx.msk [tilespmem:v9+s17+$0x0], $0xffff;
	[tilespmem:s30+$0x80] =	vst v8  }
0x5d: {  	v23 =	vor.u32 $0x100, v10;
	v14 =	vld.idx.msk [tilespmem:v14+s17+$0x0], $0xffff;
	[tilespmem:s16+$0xC800] =	vst v13  }
0x5e: {  	[tilespmem:s25+$0x80] =	vst v16;
	v16 =	vor.u32 $0x300, v0;
	v24 =	vld.idx.msk [tilespmem:v5+s17+$0x0], $0xffff  }
0x5f: {  	v25 =	vor.u32 $0x380, v4;
	v18 =	vld.idx.msk [tilespmem:v17+s17+$0x0], $0xffff;
	[tilespmem:s28+$0x80] =	vst v15  }
0x60: {  	s23 =	sor.u32 $0x300, s11;
	v4 =	vor.u32 $0x380, v21;
	v17 =	vld.idx.msk [tilespmem:v19+s17+$0x0], $0xffff;
	[tilespmem:s15+$0x80] =	vst v20  }
0x61: {  	s21 =	sor.u32 $0x280, s6;
	v11 =	vor.u32 $0x200, v21;
	v8 =	vor.u32 $0x280, v21;
	v19 =	vld.idx.msk [tilespmem:v6+s17+$0x0], $0xffff;
	[tilespmem:s23+$0xC800] =	vst v22;
	v22 =	vor.u32 $0x180, v2  }
0x62: {  	s29 =	sor.u32 $0x300, s6;
	[tilespmem:s21+$0xC800] =	vst v7;
	v13 =	vor.u32 $0x180, v21;
	v6 =	vor.u32 $0x300, v21;
	v21 =	vor.u32 $0x180, v1;
	v20 =	vld.idx.msk [tilespmem:v23+s17+$0x0], $0xffff  }
0x63: {  	s24 =	sor.u32 $0x380, s7;
	s7 =	simm.s32 $0x80;
	s26 =	sor.u32 $0x300, s1;
	v3 =	vor.u32 $0x380, v3;
	v12 =	vor.u32 $0x180, v10;
	v7 =	vor.u32 $0x280, v10;
	v15 =	vld.idx.msk [tilespmem:v16+s17+$0x0], $0xffff  }
0x64: {  	s13 =	sor.u32 $0x380, s6;
	s14 =	sor.u32 $0x380, s1;
	v9 =	vor.u32 $0x200, v10;
	s16 =	sor.u32 $0x380, s11;
	v5 =	vor.u32 $0x300, v10;
	v10 =	vor.u32 $0x380, v10;
	v16 =	vld.idx.msk [tilespmem:v25+s17+$0x0], $0xffff;
	[tilespmem:s24+$0xC800] =	vst v24  }
.LBB2_3:
0x65: {  	s3 =	sadd.s32 $0x40, s3;
	v23 =	vld [tilespmem:s7+$0x0];
	[tilespmem:s25+$0x100] =	vst v18  }
0x66: {  	s21 =	sand.u32 $0x40, s3;
	p2 =	slt.u32 s3, $0x7C0;
	[tilespmem:s30+$0x100] =	vst v17;
	v17 =	vld.idx.msk [tilespmem:v22+s17+$0x0], $0xffff  }
0x67: {  	s1 =	sand.u32 $0x780, s3;
	s23 =	sor.u32 $0x10, s21;
	s6 =	sor.u32 $0x30, s21;
	v18 =	vld.idx.msk [tilespmem:v21+s17+$0x0], $0xffff;
	[tilespmem:s28+$0x100] =	vst v19  }
0x68: {  	s10 =	sor.u32 $0x20, s21;
	v19 =	vor.u32 $0x200, v2;
	s4 =	sor.u32 s23, s1;
	s9 =	sor.u32 s6, s1;
	v13 =	vld.idx.msk [tilespmem:v13+s17+$0x0], $0xffff;
	[tilespmem:s15+$0x100] =	vst v20  }
0x69: {  	v21 =	vor.u32 $0x200, v1;
	s1 =	sor.u32 s10, s1;
	v20 =	vld [tilespmem:s9+$0x0];
	[tilespmem:s26+$0xC800] =	vst v14  }
0x6a: {  	v14 =	vld [tilespmem:s4+$0x0];
	[tilespmem:s29+$0xC800] =	vst v15  }
0x6b: {  	v15 =	vshll.u32 v23, $0x3;
	v22 =	vld [tilespmem:s1+$0x0];
	[tilespmem:s16+$0xC800] =	vst v16  }
0x6c: {  	v16 =	vand.u32 $0x7F, v23;
	v15 =	vand.u32 $0xFFFFFC00, v15;
	v12 =	vld.idx.msk [tilespmem:v12+s17+$0x0], $0xffff;
	[tilespmem:s25+$0x180] =	vst v17;
	v17 =	vor.u32 $0x380, v0;
	v0 =	vmovc v1  }
0x6d: {  	p1 =	por !p1, !p1;
	s1 =	simm.s32 $0x1;
	v1 =	vor.u32 v16, v15;
	[tilespmem:s30+$0x180] =	vst v18;
	v15 =	vld.idx.msk [tilespmem:v19+s17+$0x0], $0xffff  }
0x6e: {  	s1 =	simm.s32 @!p1 $0x0;
	v16 =	vshll.u32 v20, $0x3;
	v18 =	vld.idx.msk [tilespmem:v21+s17+$0x0], $0xffff;
	[tilespmem:s28+$0x180] =	vst v13  }
0x6f: {  	s1 =	sshll.u32 s1, $0x6;
	v13 =	vand.u32 $0x7F, v20;
	v16 =	vand.u32 $0xFFFFFC00, v16;
	v19 =	vld.idx.msk [tilespmem:v11+s17+$0x0], $0xffff;
	v11 =	vor.u32 $0x280, v2  }
0x70: {  	s25 =	sadd.s32 s1, s8;
	v20 =	vshll.u32 v14, $0x3;
	v21 =	vshll.u32 v22, $0x3;
	v16 =	vor.u32 v13, v16;
	v23 =	vld.idx.msk [tilespmem:v3+s17+$0x0], $0xffff;
	v3 =	vmovc v10  }
0x71: {  	s16 =	sadd.s32 $0x10, s25;
	s28 =	sadd.s32 $0x20, s25;
	s9 =	sadd.s32 $0x30, s25;
	v10 =	vand.u32 $0x7F, v14;
	v13 =	vand.u32 $0xFFFFFC00, v20;
	v14 =	vand.u32 $0xFFFFFC00, v21;
	v17 =	vld.idx.msk [tilespmem:v17+s17+$0x0], $0xffff  }
0x72: {  	s30 =	sor.u32 $0x200, s16;
	s11 =	sor.u32 $0x200, s9;
	v10 =	vor.u32 v10, v13;
	v13 =	vand.u32 $0x7F, v22;
	v21 =	vor.u32 $0x280, v0;
	v20 =	vld.idx.msk [tilespmem:v1+s17+$0x0], $0xffff;
	[tilespmem:s15+$0x180] =	vst v12;
	s15 =	sor.u32 $0x200, s28  }
0x73: {  	s12 =	sor.u32 $0x200, s25;
	s4 =	sor.u32 $0x280, s16;
	s1 =	sor.u32 $0x280, s28;
	v22 =	vor.u32 $0x80, v10;
	v24 =	vor.u32 $0x100, v10;
	v14 =	vor.u32 v13, v14;
	v25 =	vld.idx.msk [tilespmem:v9+s17+$0x0], $0xffff;
	[tilespmem:s11+$0xC800] =	vst v15  }
0x74: {  	s26 =	sor.u32 $0x300, s28;
	v13 =	vor.u32 $0x180, v10;
	v15 =	vor.u32 $0x80, v14;
	v26 =	vor.u32 $0x100, v14;
	s11 =	sor.u32 $0x300, s16;
	[tilespmem:s12+$0xC800] =	vst v18;
	s12 =	sor.u32 $0x280, s25;
	v18 =	vld.idx.msk [tilespmem:v11+s17+$0x0], $0xffff  }
0x75: {  	s29 =	sor.u32 $0x300, s25;
	s28 =	sor.u32 $0x380, s28;
	v12 =	vor.u32 $0x180, v14;
	v9 =	vor.u32 $0x200, v14;
	s16 =	sor.u32 $0x380, s16;
	v11 =	vor.u32 $0x200, v10;
	v27 =	vld.idx.msk [tilespmem:v16+s17+$0x0], $0xffff;
	[tilespmem:s30+$0xC800] =	vst v19  }
0x76: {  	v29 =	vor.u32 $0x300, v2;
	s25 =	sor.u32 $0x380, s25;
	v19 =	vor.u32 $0x280, v14;
	v28 =	vld.idx.msk [tilespmem:v8+s17+$0x0], $0xffff;
	v8 =	vor.u32 $0x280, v10;
	[tilespmem:s14+$0xC800] =	vst v23;
	s14 =	smov.u32 s28  }
0x77: {  	s8 =	sadd.s32 $0x200, s8;
	v32 =	vor.u32 $0x80, v16;
	v30 =	vor.u32 $0x300, v10;
	v31 =	vor.u32 $0x300, v14;
	v23 =	vld.idx.msk [tilespmem:v10+s17+$0x0], $0xffff;
	[tilespmem:s13+$0xC800] =	vst v17;
	s13 =	smov.u32 s25  }
0x78: {  	v33 =	vor.u32 $0x380, v10;
	s25 =	sand.u32 $0x3C00, s8;
	v17 =	vor.u32 $0x80, v1;
	v10 =	vor.u32 $0x380, v14;
	v34 =	vld.idx.msk [tilespmem:v14+s17+$0x0], $0xffff  }
0x79: {  	s24 =	sor.u32 $0x280, s9;
	s30 =	sadd.s32 $0xC800, s25;
	v35 =	vld.idx.msk [tilespmem:v21+s17+$0x0], $0xffff;
	[tilespmem:s15+$0xC800] =	vst v25  }
0x7a: {  	s28 =	sor.u32 s23, s30;
	s15 =	sor.u32 s10, s30;
	s25 =	sor.u32 s6, s30;
	v14 =	vld.idx.msk [tilespmem:v7+s17+$0x0], $0xffff;
	[tilespmem:s24+$0xC800] =	vst v18;
	v7 =	vmov v19  }
0x7b: {  	s30 =	sor.u32 s21, s30;
	[tilespmem:s25+$0x0] =	vst v27;
	v18 =	vld.idx.msk [tilespmem:v29+s17+$0x0], $0xffff  }
0x7c: {  	[tilespmem:s30+$0x0] =	vst v20;
	v19 =	vld.idx.msk [tilespmem:v32+s17+$0x0], $0xffff  }
0x7d: {  	v20 =	vor.u32 $0x380, v2;
	v2 =	vmov v16;
	v17 =	vld.idx.msk [tilespmem:v17+s17+$0x0], $0xffff;
	[tilespmem:s28+$0x0] =	vst v23  }
0x7e: {  	v21 =	vor.u32 $0x100, v2;
	v16 =	vld.idx.msk [tilespmem:v22+s17+$0x0], $0xffff;
	[tilespmem:s15+$0x0] =	vst v34  }
0x7f: {  	v22 =	vor.u32 $0x100, v1;
	v15 =	vld.idx.msk [tilespmem:v15+s17+$0x0], $0xffff;
	[tilespmem:s4+$0xC800] =	vst v28  }
0x80: {  	v23 =	vld.idx.msk [tilespmem:v6+s17+$0x0], $0xffff;
	[tilespmem:s1+$0xC800] =	vst v14;
	s1 =	sor.u32 $0x300, s9;
	v6 =	vmov v30  }
0x81: {  	v14 =	vld.idx.msk [tilespmem:v5+s17+$0x0], $0xffff;
	[tilespmem:s1+$0xC800] =	vst v18;
	v5 =	vmov v31  }
0x82: {  	v25 =	vor.u32 $0x300, v0;
	[tilespmem:s25+$0x80] =	vst v19;
	v27 =	vld.idx.msk [tilespmem:v20+s17+$0x0], $0xffff  }
0x83: {  	[tilespmem:s30+$0x80] =	vst v17;
	v18 =	vld.idx.msk [tilespmem:v21+s17+$0x0], $0xffff  }
.Ltmp0:
0x84: {  	v17 =	vld.idx.msk [tilespmem:v22+s17+$0x0], $0xffff;
	[tilespmem:s28+$0x80] =	vst v16;
	(pc) =	sbr.rel @p2 .LBB2_3-.Ltmp0, $4  }
0x85: {  	v22 =	vor.u32 $0x180, v2;
	v19 =	vld.idx.msk [tilespmem:v24+s17+$0x0], $0xffff;
	[tilespmem:s15+$0x80] =	vst v15  }
0x86: {  	v21 =	vor.u32 $0x180, v1;
	v20 =	vld.idx.msk [tilespmem:v26+s17+$0x0], $0xffff;
	[tilespmem:s12+$0xC800] =	vst v35  }
0x87: {  	s1 =	sor.u32 $0x380, s9;
	v15 =	vld.idx.msk [tilespmem:v25+s17+$0x0], $0xffff;
	[tilespmem:s11+$0xC800] =	vst v23  }
0x88: {  	s7 =	sadd.s32 $0x40, s7;
	v16 =	vld.idx.msk [tilespmem:v4+s17+$0x0], $0xffff;
	[tilespmem:s1+$0xC800] =	vst v27;
	v4 =	vmov v33  }
0x89: {  	_ =	sdelay $0x2  }
0x8a: {  	[tilespmem:s25+$0x100] =	vst v18  }
0x8b: {  	v18 =	vld.idx.msk [tilespmem:v22+s17+$0x0], $0xffff;
	[tilespmem:s28+$0x100] =	vst v19  }
0x8c: {  	v19 =	vor.u32 $0x200, v2;
	v13 =	vld.idx.msk [tilespmem:v13+s17+$0x0], $0xffff  }
0x8d: {  	[tilespmem:s15+$0x100] =	vst v20  }
0x8e: {  	[tilespmem:s30+$0x100] =	vst v17;
	v12 =	vld.idx.msk [tilespmem:v12+s17+$0x0], $0xffff  }
0x8f: {  	v17 =	vld.idx.msk [tilespmem:v21+s17+$0x0], $0xffff  }
0x90: {  	p1 =	por !p1, !p1;
	s1 =	simm.s32 $0x1;
	v20 =	vor.u32 $0x200, v1;
	[tilespmem:s25+$0x180] =	vst v18  }
0x91: {  	s1 =	simm.s32 @!p1 $0x0;
	v18 =	vld.idx.msk [tilespmem:v19+s17+$0x0], $0xffff;
	[tilespmem:s28+$0x180] =	vst v13  }
0x92: {  	s1 =	sshll.u32 s1, $0x6;
	v13 =	vor.u32 $0x280, v2;
	v11 =	vld.idx.msk [tilespmem:v11+s17+$0x0], $0xffff  }
0x93: {  	s1 =	sadd.s32 s1, s8;
	[tilespmem:s15+$0x180] =	vst v12  }
0x94: {  	s3 =	sadd.s32 $0x30, s1;
	[tilespmem:s30+$0x180] =	vst v17;
	v9 =	vld.idx.msk [tilespmem:v9+s17+$0x0], $0xffff  }
0x95: {  	s4 =	sadd.s32 $0x10, s1;
	s6 =	sor.u32 $0x200, s3;
	v12 =	vld.idx.msk [tilespmem:v20+s17+$0x0], $0xffff  }
0x96: {  	s24 =	sor.u32 $0x200, s4;
	v17 =	vor.u32 $0x280, v1;
	[tilespmem:s6+$0xC800] =	vst v18  }
0x97: {  	s7 =	sadd.s32 $0x20, s1;
	v13 =	vld.idx.msk [tilespmem:v13+s17+$0x0], $0xffff;
	[tilespmem:s24+$0xC800] =	vst v11  }
0x98: {  	s25 =	sor.u32 $0x200, s7;
	v11 =	vor.u32 $0x300, v2;
	v8 =	vld.idx.msk [tilespmem:v8+s17+$0x0], $0xffff  }
0x99: {  	s9 =	sor.u32 $0x200, s1;
	[tilespmem:s25+$0xC800] =	vst v9  }
0x9a: {  	[tilespmem:s9+$0xC800] =	vst v12;
	v7 =	vld.idx.msk [tilespmem:v7+s17+$0x0], $0xffff  }
0x9b: {  	[tilespmem:s26+$0xC800] =	vst v14;
	s10 =	sor.u32 $0x280, s3;
	v9 =	vld.idx.msk [tilespmem:v17+s17+$0x0], $0xffff  }
0x9c: {  	s11 =	sor.u32 $0x280, s4;
	v12 =	vor.u32 $0x300, v1;
	[tilespmem:s10+$0xC800] =	vst v13  }
0x9d: {  	v0 =	vor.u32 $0x380, v0;
	v11 =	vld.idx.msk [tilespmem:v11+s17+$0x0], $0xffff;
	[tilespmem:s11+$0xC800] =	vst v8  }
0x9e: {  	[tilespmem:s29+$0xC800] =	vst v15;
	s12 =	sor.u32 $0x280, s7;
	v2 =	vor.u32 $0x380, v2;
	v6 =	vld.idx.msk [tilespmem:v6+s17+$0x0], $0xffff  }
0x9f: {  	v3 =	vld.idx.msk [tilespmem:v3+s17+$0x0], $0xffff;
	s15 =	sor.u32 $0x280, s1;
	[tilespmem:s12+$0xC800] =	vst v7  }
0xa0: {  	[tilespmem:s15+$0xC800] =	vst v9;
	v5 =	vld.idx.msk [tilespmem:v5+s17+$0x0], $0xffff  }
0xa1: {  	[tilespmem:s16+$0xC800] =	vst v16;
	s16 =	sor.u32 $0x300, s3;
	v7 =	vld.idx.msk [tilespmem:v12+s17+$0x0], $0xffff  }
0xa2: {  	v0 =	vld.idx.msk [tilespmem:v0+s17+$0x0], $0xffff;
	s21 =	sor.u32 $0x300, s4;
	v1 =	vor.u32 $0x380, v1;
	[tilespmem:s16+$0xC800] =	vst v11  }
0xa3: {  	v2 =	vld.idx.msk [tilespmem:v2+s17+$0x0], $0xffff;
	[tilespmem:s21+$0xC800] =	vst v6  }
0xa4: {  	s23 =	sor.u32 $0x300, s7;
	[tilespmem:s14+$0xC800] =	vst v3;
	v4 =	vld.idx.msk [tilespmem:v4+s17+$0x0], $0xffff  }
0xa5: {  	s24 =	sor.u32 $0x300, s1;
	[tilespmem:s23+$0xC800] =	vst v5  }
0xa6: {  	[tilespmem:s24+$0xC800] =	vst v7;
	v5 =	vld.idx.msk [tilespmem:v10+s17+$0x0], $0xffff  }
0xa7: {  	s3 =	sor.u32 $0x380, s3;
	[tilespmem:s13+$0xC800] =	vst v0;
	v1 =	vld.idx.msk [tilespmem:v1+s17+$0x0], $0xffff  }
0xa8: {  	s4 =	sor.u32 $0x380, s4;
	[tilespmem:s3+$0xC800] =	vst v2  }
0xa9: {  	s25 =	smul.u32 $0x18, s31;
	[tilespmem:s4+$0xC800] =	vst v4  }
0xaa: {  	s26 =	sor.u32 $0x380, s7;
	s4 =	rddreg [dreg:$0x4]  }
0xab: {  	s1 =	sor.u32 $0x380, s1;
	[tilespmem:s26+$0xC800] =	vst v5;
	s4 =	sadd.s32 s4, s25  }
0xac: {  	s8 =	rddreg [dreg:$0x2];
	[tilespmem:s1+$0xC800] =	vst v1;
	s7 =	sshll.u32 s4, $0x8  }
0xad: {  	s9 =	simm.s32 $0xC800;
	s10 =	rddreg [dreg:$0x8];
	s1 =	sadd.s32 s8, s7  }
0xae: {  	[hbm4b:s1+s5] =	stream.linear.scatter [tilespmem:s9], [sflag:$0x4], $0x4000, $0x38;
	[tilespmem:$0x18800] =	vst v63  }
0xaf: {  	s1 =	sadd.s32 s10, s2  }
0xb0: {  	s11 =	rddreg [dreg:$0x0];
	s1 =	sshll.u32 s1, $0xB  }
0xb1: {  	s1 =	sadd.s32 s11, s1  }
0xb2: {  	[tilespmem:s17], [sflag:$0x1] =	stream.linear.gather [hbm4b:s1+s5], $0x4000, $0x38;
	[tilespmem:$0x18800] =	vst v63  }
0xb3: {  	_ =	swait.ge [sflag:s22], $0x4000  }
0xb4: {  	[sflag:s22] =	ssyncset.done $0x0  }
0xb5: {  	s12 =	simm.s32 $0x0;
	s1 =	simm.s32 @!p0 $0x5;
	[sflag:s22] =	ssyncadd.s32 $0xFFFFC000  }
0xb6: {  	s13 =	sand.u32 $0x40, s12;
	_ =	swait.ge @!p0 [sflag:s1], $0x4000  }
0xb7: {  	s14 =	sor.u32 $0x30, s13;
	s3 =	sand.u32 $0x780, s12;
	[sflag:s1] =	ssyncset.done @!p0 $0x0  }
0xb8: {  	s15 =	sor.u32 s14, s3;
	[sflag:s1] =	ssyncadd.s32 @!p0 $0xFFFFC000  }
0xb9: {  	s16 =	simm.s32 $0x0;
	v0 =	vld [tilespmem:s15+$0x0]  }
0xba: {  	s21 =	sor.u32 $0x10, s13;
	v1 =	vld [tilespmem:s16+$0x0]  }
0xbb: {  	s23 =	sor.u32 s21, s3;
	s9 =	sor.u32 $0x20, s13  }
0xbc: {  	s3 =	sor.u32 s9, s3;
	v2 =	vld [tilespmem:s23+$0x0]  }
0xbd: {  	v3 =	vld [tilespmem:s3+$0x0]  }
0xbe: {  	v4 =	vshll.u32 v0, $0x3  }
0xbf: {  	v5 =	vshll.u32 v1, $0x3;
	v0 =	vand.u32 $0x7F, v0;
	v4 =	vand.u32 $0xFFFFFC00, v4  }
0xc0: {  	v1 =	vand.u32 $0x7F, v1;
	v6 =	vand.u32 $0xFFFFFC00, v5;
	v5 =	vor.u32 v0, v4  }
0xc1: {  	v0 =	vor.u32 v1, v6;
	v1 =	vshll.u32 v2, $0x3  }
0xc2: {  	v4 =	vshll.u32 v3, $0x3;
	v2 =	vand.u32 $0x7F, v2;
	v1 =	vand.u32 $0xFFFFFC00, v1  }
0xc3: {  	v6 =	vand.u32 $0xFFFFFC00, v4;
	v4 =	vor.u32 v2, v1;
	v1 =	vand.u32 $0x7F, v3  }
0xc4: {  	v3 =	vor.u32 v1, v6  }
0xc5: {  	v1 =	vld.idx.msk [tilespmem:v5+s18+$0x0], $0xffff  }
0xc6: {  	v6 =	vor.u32 $0x80, v5;
	v2 =	vld.idx.msk [tilespmem:v0+s18+$0x0], $0xffff  }
0xc7: {  	s24 =	sand.u32 $0x3C00, s16;
	v7 =	vor.u32 $0x80, v0  }
0xc8: {  	s3 =	sadd.s32 $0x10800, s24;
	v8 =	vld.idx.msk [tilespmem:v4+s18+$0x0], $0xffff  }
0xc9: {  	s6 =	sor.u32 s14, s3;
	v9 =	vor.u32 $0x80, v4;
	v10 =	vld.idx.msk [tilespmem:v3+s18+$0x0], $0xffff  }
0xca: {  	s4 =	sor.u32 s13, s3;
	v11 =	vor.u32 $0x80, v3;
	[tilespmem:s6+$0x0] =	vst v1  }
0xcb: {  	[tilespmem:s4+$0x0] =	vst v2;
	v1 =	vld.idx.msk [tilespmem:v6+s18+$0x0], $0xffff  }
0xcc: {  	s25 =	sor.u32 s21, s3;
	v2 =	vld.idx.msk [tilespmem:v7+s18+$0x0], $0xffff;
	v6 =	vor.u32 $0x100, v5  }
0xcd: {  	s26 =	sor.u32 s9, s3;
	v7 =	vor.u32 $0x100, v0;
	[tilespmem:s25+$0x0] =	vst v8  }
0xce: {  	v8 =	vld.idx.msk [tilespmem:v9+s18+$0x0], $0xffff;
	[tilespmem:s26+$0x0] =	vst v10  }
0xcf: {  	v9 =	vor.u32 $0x100, v4;
	v10 =	vld.idx.msk [tilespmem:v11+s18+$0x0], $0xffff  }
0xd0: {  	v11 =	vor.u32 $0x100, v3;
	[tilespmem:s6+$0x80] =	vst v1  }
0xd1: {  	[tilespmem:s4+$0x80] =	vst v2;
	v1 =	vld.idx.msk [tilespmem:v6+s18+$0x0], $0xffff  }
0xd2: {  	v2 =	vld.idx.msk [tilespmem:v7+s18+$0x0], $0xffff;
	v6 =	vor.u32 $0x180, v5  }
0xd3: {  	v7 =	vor.u32 $0x180, v0;
	[tilespmem:s25+$0x80] =	vst v8  }
0xd4: {  	v8 =	vld.idx.msk [tilespmem:v9+s18+$0x0], $0xffff;
	[tilespmem:s26+$0x80] =	vst v10  }
0xd5: {  	s13 =	simm.s32 $0x40;
	s3 =	simm.s32 $0x40;
	v9 =	vor.u32 $0x180, v4;
	v10 =	vld.idx.msk [tilespmem:v11+s18+$0x0], $0xffff  }
0xd6: {  	s9 =	sand.u32 $0x40, s3;
	v11 =	vld [tilespmem:s13+$0x0];
	[tilespmem:s6+$0x100] =	vst v1  }
0xd7: {  	s14 =	sand.u32 $0x780, s3;
	s13 =	sor.u32 $0x30, s9;
	[tilespmem:s4+$0x100] =	vst v2;
	v1 =	vld.idx.msk [tilespmem:v6+s18+$0x0], $0xffff  }
0xd8: {  	s11 =	sor.u32 s13, s14;
	v2 =	vor.u32 $0x180, v3;
	v6 =	vld.idx.msk [tilespmem:v7+s18+$0x0], $0xffff  }
0xd9: {  	s10 =	sor.u32 $0x10, s9;
	v7 =	vor.u32 $0x200, v5;
	[tilespmem:s25+$0x100] =	vst v8;
	v8 =	vld [tilespmem:s11+$0x0]  }
0xda: {  	s12 =	sor.u32 $0x20, s9;
	s15 =	sor.u32 s10, s14;
	v9 =	vld.idx.msk [tilespmem:v9+s18+$0x0], $0xffff  }
0xdb: {  	s8 =	sor.u32 s12, s14;
	v13 =	vld [tilespmem:s15+$0x0];
	v12 =	vor.u32 $0x200, v4;
	v14 =	vshll.u32 v11, $0x3  }
0xdc: {  	v15 =	vld [tilespmem:s8+$0x0];
	[tilespmem:s26+$0x100] =	vst v10;
	v10 =	vor.u32 $0x200, v0;
	v11 =	vand.u32 $0x7F, v11;
	v14 =	vand.u32 $0xFFFFFC00, v14  }
0xdd: {  	p1 =	por $0x0, $0x0;
	v16 =	vld.idx.msk [tilespmem:v2+s18+$0x0], $0xffff;
	[tilespmem:s6+$0x180] =	vst v1;
	v1 =	vor.u32 v11, v14;
	s6 =	simm.s32 $0x1  }
0xde: {  	v11 =	vor.u32 $0x200, v3;
	v7 =	vld.idx.msk [tilespmem:v7+s18+$0x0], $0xffff;
	v2 =	vshll.u32 v8, $0x3;
	s6 =	simm.s32 @!p1 $0x0  }
0xdf: {  	v8 =	vand.u32 $0x7F, v8;
	[tilespmem:s25+$0x180] =	vst v9;
	v2 =	vand.u32 $0xFFFFFC00, v2;
	s6 =	sshll.u32 s6, $0x6;
	v9 =	vor.u32 $0x280, v5  }
0xe0: {  	v14 =	vor.u32 $0x280, v4;
	[tilespmem:s4+$0x180] =	vst v6;
	v6 =	vld.idx.msk [tilespmem:v12+s18+$0x0], $0xffff;
	v12 =	vshll.u32 v13, $0x3;
	v2 =	vor.u32 v8, v2;
	s6 =	sadd.s32 $0x0, s6  }
0xe1: {  	v8 =	vld.idx.msk [tilespmem:v10+s18+$0x0], $0xffff;
	v10 =	vshll.u32 v15, $0x3;
	v13 =	vand.u32 $0x7F, v13;
	v12 =	vand.u32 $0xFFFFFC00, v12;
	s7 =	sadd.s32 $0x30, s6  }
0xe2: {  	v10 =	vand.u32 $0xFFFFFC00, v10;
	[tilespmem:s26+$0x180] =	vst v16;
	v17 =	vld.idx.msk [tilespmem:v1+s18+$0x0], $0xffff;
	v21 =	vor.u32 v13, v12;
	v12 =	vand.u32 $0x7F, v15;
	s16 =	sor.u32 $0x200, s7  }
0xe3: {  	s11 =	sadd.s32 $0x10, s6;
	v11 =	vld.idx.msk [tilespmem:v11+s18+$0x0], $0xffff;
	v10 =	vor.u32 v12, v10;
	[tilespmem:s16+$0x10800] =	vst v7  }
0xe4: {  	s21 =	sor.u32 $0x200, s11;
	v7 =	vor.u32 $0x280, v0;
	v9 =	vld.idx.msk [tilespmem:v9+s18+$0x0], $0xffff  }
0xe5: {  	s8 =	simm.s32 $0x200;
	s23 =	sor.u32 $0x200, s6;
	v12 =	vor.u32 $0x280, v3;
	v13 =	vld.idx.msk [tilespmem:v2+s18+$0x0], $0xffff;
	[tilespmem:s21+$0x10800] =	vst v6  }
0xe6: {  	s25 =	sand.u32 $0x3C00, s8;
	s1 =	sadd.s32 $0x20, s6;
	[tilespmem:s23+$0x10800] =	vst v8;
	v8 =	vor.u32 $0x80, v1;
	v6 =	vld.idx.msk [tilespmem:v14+s18+$0x0], $0xffff  }
0xe7: {  	s4 =	sadd.s32 $0x10800, s25;
	s24 =	sor.u32 $0x200, s1;
	v14 =	vor.u32 $0x300, v5;
	v15 =	vld.idx.msk [tilespmem:v21+s18+$0x0], $0xffff  }
0xe8: {  	v16 =	vor.u32 $0x80, v2;
	s30 =	sor.u32 s9, s4;
	[tilespmem:s24+$0x10800] =	vst v11;
	v18 =	vld.idx.msk [tilespmem:v10+s18+$0x0], $0xffff  }
0xe9: {  	s26 =	sor.u32 $0x280, s7;
	v19 =	vor.u32 $0x80, v21;
	[tilespmem:s30+$0x0] =	vst v17;
	v7 =	vld.idx.msk [tilespmem:v7+s18+$0x0], $0xffff  }
0xea: {  	s25 =	sor.u32 s13, s4;
	v11 =	vor.u32 $0x80, v10;
	v12 =	vld.idx.msk [tilespmem:v12+s18+$0x0], $0xffff;
	[tilespmem:s26+$0x10800] =	vst v9  }
0xeb: {  	s13 =	sor.u32 $0x280, s11;
	v9 =	vor.u32 $0x300, v4;
	[tilespmem:s25+$0x0] =	vst v13;
	v8 =	vld.idx.msk [tilespmem:v8+s18+$0x0], $0xffff  }
0xec: {  	s28 =	sor.u32 s10, s4;
	v13 =	vld.idx.msk [tilespmem:v14+s18+$0x0], $0xffff;
	v14 =	vor.u32 $0x300, v3;
	[tilespmem:s13+$0x10800] =	vst v6  }
0xed: {  	s15 =	sor.u32 s12, s4;
	v5 =	vor.u32 $0x380, v5;
	v16 =	vld.idx.msk [tilespmem:v16+s18+$0x0], $0xffff;
	[tilespmem:s28+$0x0] =	vst v15  }
0xee: {  	s14 =	sor.u32 $0x280, s1;
	v17 =	vor.u32 $0x100, v2;
	v15 =	vld.idx.msk [tilespmem:v19+s18+$0x0], $0xffff;
	[tilespmem:s15+$0x0] =	vst v18  }
0xef: {  	v19 =	vor.u32 $0x100, v1;
	[tilespmem:s14+$0x10800] =	vst v12;
	v20 =	vld.idx.msk [tilespmem:v11+s18+$0x0], $0xffff  }
0xf0: {  	s16 =	sor.u32 $0x300, s7;
	v6 =	vor.u32 $0x100, v21;
	v22 =	vld.idx.msk [tilespmem:v9+s18+$0x0], $0xffff;
	[tilespmem:s30+$0x80] =	vst v8  }
0xf1: {  	v23 =	vor.u32 $0x100, v10;
	v14 =	vld.idx.msk [tilespmem:v14+s18+$0x0], $0xffff;
	[tilespmem:s16+$0x10800] =	vst v13  }
0xf2: {  	[tilespmem:s25+$0x80] =	vst v16;
	v16 =	vor.u32 $0x300, v0;
	v24 =	vld.idx.msk [tilespmem:v5+s18+$0x0], $0xffff  }
0xf3: {  	v25 =	vor.u32 $0x380, v4;
	v18 =	vld.idx.msk [tilespmem:v17+s18+$0x0], $0xffff;
	[tilespmem:s28+$0x80] =	vst v15  }
0xf4: {  	s23 =	sor.u32 $0x300, s11;
	v4 =	vor.u32 $0x380, v21;
	v17 =	vld.idx.msk [tilespmem:v19+s18+$0x0], $0xffff;
	[tilespmem:s15+$0x80] =	vst v20  }
0xf5: {  	s21 =	sor.u32 $0x280, s6;
	v11 =	vor.u32 $0x200, v21;
	v8 =	vor.u32 $0x280, v21;
	v19 =	vld.idx.msk [tilespmem:v6+s18+$0x0], $0xffff;
	[tilespmem:s23+$0x10800] =	vst v22;
	v22 =	vor.u32 $0x180, v2  }
0xf6: {  	s29 =	sor.u32 $0x300, s6;
	[tilespmem:s21+$0x10800] =	vst v7;
	v13 =	vor.u32 $0x180, v21;
	v6 =	vor.u32 $0x300, v21;
	v21 =	vor.u32 $0x180, v1;
	v20 =	vld.idx.msk [tilespmem:v23+s18+$0x0], $0xffff  }
0xf7: {  	s24 =	sor.u32 $0x380, s7;
	s7 =	simm.s32 $0x80;
	s26 =	sor.u32 $0x300, s1;
	v3 =	vor.u32 $0x380, v3;
	v12 =	vor.u32 $0x180, v10;
	v7 =	vor.u32 $0x280, v10;
	v15 =	vld.idx.msk [tilespmem:v16+s18+$0x0], $0xffff  }
0xf8: {  	s13 =	sor.u32 $0x380, s6;
	s14 =	sor.u32 $0x380, s1;
	v9 =	vor.u32 $0x200, v10;
	s16 =	sor.u32 $0x380, s11;
	v5 =	vor.u32 $0x300, v10;
	v10 =	vor.u32 $0x380, v10;
	v16 =	vld.idx.msk [tilespmem:v25+s18+$0x0], $0xffff;
	[tilespmem:s24+$0x10800] =	vst v24  }
.LBB2_5:
0xf9: {  	s3 =	sadd.s32 $0x40, s3;
	v23 =	vld [tilespmem:s7+$0x0];
	[tilespmem:s25+$0x100] =	vst v18  }
0xfa: {  	s21 =	sand.u32 $0x40, s3;
	p2 =	slt.u32 s3, $0x7C0;
	[tilespmem:s30+$0x100] =	vst v17;
	v17 =	vld.idx.msk [tilespmem:v22+s18+$0x0], $0xffff  }
0xfb: {  	s1 =	sand.u32 $0x780, s3;
	s6 =	sor.u32 $0x10, s21;
	s23 =	sor.u32 $0x30, s21;
	v18 =	vld.idx.msk [tilespmem:v21+s18+$0x0], $0xffff;
	[tilespmem:s28+$0x100] =	vst v19  }
0xfc: {  	s10 =	sor.u32 $0x20, s21;
	v19 =	vor.u32 $0x200, v2;
	s4 =	sor.u32 s6, s1;
	s9 =	sor.u32 s23, s1;
	v13 =	vld.idx.msk [tilespmem:v13+s18+$0x0], $0xffff;
	[tilespmem:s15+$0x100] =	vst v20  }
0xfd: {  	v21 =	vor.u32 $0x200, v1;
	s1 =	sor.u32 s10, s1;
	v20 =	vld [tilespmem:s9+$0x0];
	[tilespmem:s26+$0x10800] =	vst v14  }
0xfe: {  	v14 =	vld [tilespmem:s4+$0x0];
	[tilespmem:s29+$0x10800] =	vst v15  }
0xff: {  	v15 =	vshll.u32 v23, $0x3;
	v22 =	vld [tilespmem:s1+$0x0];
	[tilespmem:s16+$0x10800] =	vst v16  }
0x100: {  	v16 =	vand.u32 $0x7F, v23;
	v15 =	vand.u32 $0xFFFFFC00, v15;
	v12 =	vld.idx.msk [tilespmem:v12+s18+$0x0], $0xffff;
	[tilespmem:s25+$0x180] =	vst v17;
	v17 =	vor.u32 $0x380, v0;
	v0 =	vmovc v1  }
0x101: {  	p1 =	por !p1, !p1;
	s1 =	simm.s32 $0x1;
	v1 =	vor.u32 v16, v15;
	[tilespmem:s30+$0x180] =	vst v18;
	v15 =	vld.idx.msk [tilespmem:v19+s18+$0x0], $0xffff  }
0x102: {  	s1 =	simm.s32 @!p1 $0x0;
	v16 =	vshll.u32 v20, $0x3;
	v18 =	vld.idx.msk [tilespmem:v21+s18+$0x0], $0xffff;
	[tilespmem:s28+$0x180] =	vst v13  }
0x103: {  	s1 =	sshll.u32 s1, $0x6;
	v13 =	vand.u32 $0x7F, v20;
	v16 =	vand.u32 $0xFFFFFC00, v16;
	v19 =	vld.idx.msk [tilespmem:v11+s18+$0x0], $0xffff;
	v11 =	vor.u32 $0x280, v2  }
0x104: {  	s24 =	sadd.s32 s1, s8;
	v20 =	vshll.u32 v14, $0x3;
	v21 =	vshll.u32 v22, $0x3;
	v16 =	vor.u32 v13, v16;
	v23 =	vld.idx.msk [tilespmem:v3+s18+$0x0], $0xffff;
	v3 =	vmovc v10  }
0x105: {  	s16 =	sadd.s32 $0x10, s24;
	s25 =	sadd.s32 $0x20, s24;
	s9 =	sadd.s32 $0x30, s24;
	v10 =	vand.u32 $0x7F, v14;
	v13 =	vand.u32 $0xFFFFFC00, v20;
	v14 =	vand.u32 $0xFFFFFC00, v21;
	v17 =	vld.idx.msk [tilespmem:v17+s18+$0x0], $0xffff  }
0x106: {  	s28 =	sor.u32 $0x200, s16;
	s11 =	sor.u32 $0x200, s9;
	v10 =	vor.u32 v10, v13;
	v13 =	vand.u32 $0x7F, v22;
	v21 =	vor.u32 $0x280, v0;
	v20 =	vld.idx.msk [tilespmem:v1+s18+$0x0], $0xffff;
	[tilespmem:s15+$0x180] =	vst v12;
	s15 =	sor.u32 $0x200, s25  }
0x107: {  	s12 =	sor.u32 $0x200, s24;
	s4 =	sor.u32 $0x280, s16;
	s1 =	sor.u32 $0x280, s25;
	v22 =	vor.u32 $0x80, v10;
	v24 =	vor.u32 $0x100, v10;
	v14 =	vor.u32 v13, v14;
	v25 =	vld.idx.msk [tilespmem:v9+s18+$0x0], $0xffff;
	[tilespmem:s11+$0x10800] =	vst v15  }
0x108: {  	s26 =	sor.u32 $0x300, s25;
	v13 =	vor.u32 $0x180, v10;
	v15 =	vor.u32 $0x80, v14;
	v26 =	vor.u32 $0x100, v14;
	s11 =	sor.u32 $0x300, s16;
	[tilespmem:s12+$0x10800] =	vst v18;
	s12 =	sor.u32 $0x280, s24;
	v18 =	vld.idx.msk [tilespmem:v11+s18+$0x0], $0xffff  }
0x109: {  	s29 =	sor.u32 $0x300, s24;
	s25 =	sor.u32 $0x380, s25;
	v12 =	vor.u32 $0x180, v14;
	v9 =	vor.u32 $0x200, v14;
	s16 =	sor.u32 $0x380, s16;
	v11 =	vor.u32 $0x200, v10;
	v27 =	vld.idx.msk [tilespmem:v16+s18+$0x0], $0xffff;
	[tilespmem:s28+$0x10800] =	vst v19  }
0x10a: {  	v29 =	vor.u32 $0x300, v2;
	s24 =	sor.u32 $0x380, s24;
	v19 =	vor.u32 $0x280, v14;
	v28 =	vld.idx.msk [tilespmem:v8+s18+$0x0], $0xffff;
	v8 =	vor.u32 $0x280, v10;
	[tilespmem:s14+$0x10800] =	vst v23;
	s14 =	smov.u32 s25  }
0x10b: {  	s8 =	sadd.s32 $0x200, s8;
	v32 =	vor.u32 $0x80, v16;
	v30 =	vor.u32 $0x300, v10;
	v31 =	vor.u32 $0x300, v14;
	v23 =	vld.idx.msk [tilespmem:v10+s18+$0x0], $0xffff;
	[tilespmem:s13+$0x10800] =	vst v17;
	s13 =	smov.u32 s24  }
0x10c: {  	v33 =	vor.u32 $0x380, v10;
	s24 =	sand.u32 $0x3C00, s8;
	v17 =	vor.u32 $0x80, v1;
	v10 =	vor.u32 $0x380, v14;
	v34 =	vld.idx.msk [tilespmem:v14+s18+$0x0], $0xffff  }
0x10d: {  	s30 =	sor.u32 $0x280, s9;
	s24 =	sadd.s32 $0x10800, s24;
	v35 =	vld.idx.msk [tilespmem:v21+s18+$0x0], $0xffff;
	[tilespmem:s15+$0x10800] =	vst v25  }
0x10e: {  	s28 =	sor.u32 s6, s24;
	s15 =	sor.u32 s10, s24;
	s25 =	sor.u32 s23, s24;
	v14 =	vld.idx.msk [tilespmem:v7+s18+$0x0], $0xffff;
	[tilespmem:s30+$0x10800] =	vst v18;
	v7 =	vmov v19  }
0x10f: {  	s30 =	sor.u32 s21, s24;
	[tilespmem:s25+$0x0] =	vst v27;
	v18 =	vld.idx.msk [tilespmem:v29+s18+$0x0], $0xffff  }
0x110: {  	[tilespmem:s30+$0x0] =	vst v20;
	v19 =	vld.idx.msk [tilespmem:v32+s18+$0x0], $0xffff  }
0x111: {  	v20 =	vor.u32 $0x380, v2;
	v2 =	vmov v16;
	v17 =	vld.idx.msk [tilespmem:v17+s18+$0x0], $0xffff;
	[tilespmem:s28+$0x0] =	vst v23  }
0x112: {  	v21 =	vor.u32 $0x100, v2;
	v16 =	vld.idx.msk [tilespmem:v22+s18+$0x0], $0xffff;
	[tilespmem:s15+$0x0] =	vst v34  }
0x113: {  	v22 =	vor.u32 $0x100, v1;
	v15 =	vld.idx.msk [tilespmem:v15+s18+$0x0], $0xffff;
	[tilespmem:s4+$0x10800] =	vst v28  }
0x114: {  	v23 =	vld.idx.msk [tilespmem:v6+s18+$0x0], $0xffff;
	[tilespmem:s1+$0x10800] =	vst v14;
	s1 =	sor.u32 $0x300, s9;
	v6 =	vmov v30  }
0x115: {  	v14 =	vld.idx.msk [tilespmem:v5+s18+$0x0], $0xffff;
	[tilespmem:s1+$0x10800] =	vst v18;
	v5 =	vmov v31  }
0x116: {  	v25 =	vor.u32 $0x300, v0;
	[tilespmem:s25+$0x80] =	vst v19;
	v27 =	vld.idx.msk [tilespmem:v20+s18+$0x0], $0xffff  }
0x117: {  	[tilespmem:s30+$0x80] =	vst v17;
	v18 =	vld.idx.msk [tilespmem:v21+s18+$0x0], $0xffff  }
.Ltmp1:
0x118: {  	v17 =	vld.idx.msk [tilespmem:v22+s18+$0x0], $0xffff;
	[tilespmem:s28+$0x80] =	vst v16;
	(pc) =	sbr.rel @p2 .LBB2_5-.Ltmp1, $4  }
0x119: {  	v22 =	vor.u32 $0x180, v2;
	v19 =	vld.idx.msk [tilespmem:v24+s18+$0x0], $0xffff;
	[tilespmem:s15+$0x80] =	vst v15  }
0x11a: {  	v21 =	vor.u32 $0x180, v1;
	v20 =	vld.idx.msk [tilespmem:v26+s18+$0x0], $0xffff;
	[tilespmem:s12+$0x10800] =	vst v35  }
0x11b: {  	s1 =	sor.u32 $0x380, s9;
	v15 =	vld.idx.msk [tilespmem:v25+s18+$0x0], $0xffff;
	[tilespmem:s11+$0x10800] =	vst v23  }
0x11c: {  	s7 =	sadd.s32 $0x40, s7;
	v16 =	vld.idx.msk [tilespmem:v4+s18+$0x0], $0xffff;
	[tilespmem:s1+$0x10800] =	vst v27;
	v4 =	vmov v33  }
0x11d: {  	_ =	sdelay $0x2  }
0x11e: {  	[tilespmem:s25+$0x100] =	vst v18  }
0x11f: {  	v18 =	vld.idx.msk [tilespmem:v22+s18+$0x0], $0xffff;
	[tilespmem:s28+$0x100] =	vst v19  }
0x120: {  	v19 =	vor.u32 $0x200, v2;
	v13 =	vld.idx.msk [tilespmem:v13+s18+$0x0], $0xffff  }
0x121: {  	[tilespmem:s15+$0x100] =	vst v20  }
0x122: {  	[tilespmem:s30+$0x100] =	vst v17;
	v12 =	vld.idx.msk [tilespmem:v12+s18+$0x0], $0xffff  }
0x123: {  	v17 =	vld.idx.msk [tilespmem:v21+s18+$0x0], $0xffff  }
0x124: {  	p1 =	por !p1, !p1;
	s1 =	simm.s32 $0x1;
	v20 =	vor.u32 $0x200, v1;
	[tilespmem:s25+$0x180] =	vst v18  }
0x125: {  	s1 =	simm.s32 @!p1 $0x0;
	v18 =	vld.idx.msk [tilespmem:v19+s18+$0x0], $0xffff;
	[tilespmem:s28+$0x180] =	vst v13  }
0x126: {  	s1 =	sshll.u32 s1, $0x6;
	v13 =	vor.u32 $0x280, v2;
	v11 =	vld.idx.msk [tilespmem:v11+s18+$0x0], $0xffff  }
0x127: {  	s1 =	sadd.s32 s1, s8;
	[tilespmem:s15+$0x180] =	vst v12  }
0x128: {  	s3 =	sadd.s32 $0x30, s1;
	[tilespmem:s30+$0x180] =	vst v17;
	v9 =	vld.idx.msk [tilespmem:v9+s18+$0x0], $0xffff  }
0x129: {  	s4 =	sadd.s32 $0x10, s1;
	s6 =	sor.u32 $0x200, s3;
	v12 =	vld.idx.msk [tilespmem:v20+s18+$0x0], $0xffff  }
0x12a: {  	v17 =	vor.u32 $0x280, v1;
	s15 =	sor.u32 $0x200, s4;
	[tilespmem:s6+$0x10800] =	vst v18  }
0x12b: {  	s7 =	sadd.s32 $0x20, s1;
	v13 =	vld.idx.msk [tilespmem:v13+s18+$0x0], $0xffff;
	[tilespmem:s15+$0x10800] =	vst v11  }
0x12c: {  	s21 =	sor.u32 $0x200, s7;
	v11 =	vor.u32 $0x300, v2;
	v8 =	vld.idx.msk [tilespmem:v8+s18+$0x0], $0xffff  }
0x12d: {  	s23 =	sor.u32 $0x200, s1;
	[tilespmem:s21+$0x10800] =	vst v9  }
0x12e: {  	[tilespmem:s23+$0x10800] =	vst v12;
	v7 =	vld.idx.msk [tilespmem:v7+s18+$0x0], $0xffff  }
0x12f: {  	[tilespmem:s26+$0x10800] =	vst v14;
	s24 =	sor.u32 $0x280, s3;
	v9 =	vld.idx.msk [tilespmem:v17+s18+$0x0], $0xffff  }
0x130: {  	s25 =	sor.u32 $0x280, s4;
	v12 =	vor.u32 $0x300, v1;
	[tilespmem:s24+$0x10800] =	vst v13  }
0x131: {  	v0 =	vor.u32 $0x380, v0;
	v11 =	vld.idx.msk [tilespmem:v11+s18+$0x0], $0xffff;
	[tilespmem:s25+$0x10800] =	vst v8  }
0x132: {  	[tilespmem:s29+$0x10800] =	vst v15;
	s26 =	sor.u32 $0x280, s7;
	v2 =	vor.u32 $0x380, v2;
	v6 =	vld.idx.msk [tilespmem:v6+s18+$0x0], $0xffff  }
0x133: {  	v3 =	vld.idx.msk [tilespmem:v3+s18+$0x0], $0xffff;
	s30 =	sor.u32 $0x280, s1;
	[tilespmem:s26+$0x10800] =	vst v7  }
0x134: {  	[tilespmem:s30+$0x10800] =	vst v9;
	v5 =	vld.idx.msk [tilespmem:v5+s18+$0x0], $0xffff  }
0x135: {  	[tilespmem:s16+$0x10800] =	vst v16;
	s9 =	sor.u32 $0x300, s3;
	v7 =	vld.idx.msk [tilespmem:v12+s18+$0x0], $0xffff  }
0x136: {  	v0 =	vld.idx.msk [tilespmem:v0+s18+$0x0], $0xffff;
	s10 =	sor.u32 $0x300, s4;
	v1 =	vor.u32 $0x380, v1;
	[tilespmem:s9+$0x10800] =	vst v11  }
0x137: {  	v2 =	vld.idx.msk [tilespmem:v2+s18+$0x0], $0xffff;
	[tilespmem:s10+$0x10800] =	vst v6  }
0x138: {  	s11 =	sor.u32 $0x300, s7;
	[tilespmem:s14+$0x10800] =	vst v3;
	v4 =	vld.idx.msk [tilespmem:v4+s18+$0x0], $0xffff  }
0x139: {  	s12 =	sor.u32 $0x300, s1;
	[tilespmem:s11+$0x10800] =	vst v5  }
0x13a: {  	[tilespmem:s12+$0x10800] =	vst v7;
	v5 =	vld.idx.msk [tilespmem:v10+s18+$0x0], $0xffff  }
0x13b: {  	s3 =	sor.u32 $0x380, s3;
	[tilespmem:s13+$0x10800] =	vst v0;
	v1 =	vld.idx.msk [tilespmem:v1+s18+$0x0], $0xffff  }
0x13c: {  	s4 =	sor.u32 $0x380, s4;
	[tilespmem:s3+$0x10800] =	vst v2  }
0x13d: {  	[tilespmem:s4+$0x10800] =	vst v4  }
0x13e: {  	s13 =	sor.u32 $0x380, s7;
	s4 =	rddreg [dreg:$0x9]  }
0x13f: {  	s1 =	sor.u32 $0x380, s1;
	[tilespmem:s13+$0x10800] =	vst v5;
	s4 =	sadd.s32 s4, s2  }
0x140: {  	s15 =	rddreg [dreg:$0x2];
	[tilespmem:s1+$0x10800] =	vst v1;
	s14 =	sshll.u32 s4, $0xB  }
0x141: {  	s16 =	simm.s32 $0x10800;
	s21 =	rddreg [dreg:$0xa];
	s1 =	sadd.s32 s15, s14  }
0x142: {  	[hbm4b:s1+s5] =	stream.linear.scatter [tilespmem:s16], [sflag:$0x5], $0x4000, $0x38;
	[tilespmem:$0x18800] =	vst v63  }
0x143: {  	s1 =	sadd.s32 s21, s2  }
0x144: {  	s23 =	rddreg [dreg:$0x0];
	s1 =	sshll.u32 s1, $0xB  }
0x145: {  	s24 =	simm.s32 $0x3;
	s1 =	sadd.s32 s23, s1  }
0x146: {  	[tilespmem:s18], [sflag:$0x2] =	stream.linear.gather [hbm4b:s1+s5], $0x4000, $0x38;
	[tilespmem:$0x18800] =	vst v63  }
0x147: {  	_ =	swait.ge [sflag:s24], $0x4000  }
0x148: {  	[sflag:s24] =	ssyncset.done $0x0  }
0x149: {  	s25 =	simm.s32 $0x0;
	s1 =	simm.s32 @!p0 $0x6;
	[sflag:s24] =	ssyncadd.s32 $0xFFFFC000  }
0x14a: {  	s26 =	sand.u32 $0x40, s25;
	_ =	swait.ge @!p0 [sflag:s1], $0x4000  }
0x14b: {  	s30 =	sor.u32 $0x30, s26;
	s2 =	sand.u32 $0x780, s25;
	[sflag:s1] =	ssyncset.done @!p0 $0x0  }
0x14c: {  	s7 =	sor.u32 s30, s2;
	[sflag:s1] =	ssyncadd.s32 @!p0 $0xFFFFC000  }
0x14d: {  	s8 =	simm.s32 $0x0;
	v0 =	vld [tilespmem:s7+$0x0]  }
0x14e: {  	s9 =	sor.u32 $0x10, s26;
	v1 =	vld [tilespmem:s8+$0x0]  }
0x14f: {  	s11 =	sor.u32 $0x20, s26;
	s10 =	sor.u32 s9, s2  }
0x150: {  	s2 =	sor.u32 s11, s2;
	v2 =	vld [tilespmem:s10+$0x0]  }
0x151: {  	v3 =	vld [tilespmem:s2+$0x0]  }
0x152: {  	v4 =	vshll.u32 v0, $0x3  }
0x153: {  	v5 =	vshll.u32 v1, $0x3;
	v0 =	vand.u32 $0x7F, v0;
	v4 =	vand.u32 $0xFFFFFC00, v4  }
0x154: {  	v1 =	vand.u32 $0x7F, v1;
	v6 =	vand.u32 $0xFFFFFC00, v5;
	v5 =	vor.u32 v0, v4  }
0x155: {  	v0 =	vor.u32 v1, v6;
	v1 =	vshll.u32 v2, $0x3  }
0x156: {  	v4 =	vshll.u32 v3, $0x3;
	v2 =	vand.u32 $0x7F, v2;
	v1 =	vand.u32 $0xFFFFFC00, v1  }
0x157: {  	v6 =	vand.u32 $0xFFFFFC00, v4;
	v4 =	vor.u32 v2, v1;
	v1 =	vand.u32 $0x7F, v3  }
0x158: {  	v3 =	vor.u32 v1, v6  }
0x159: {  	v1 =	vld.idx.msk [tilespmem:v5+s19+$0x0], $0xffff  }
0x15a: {  	v6 =	vor.u32 $0x80, v5;
	v2 =	vld.idx.msk [tilespmem:v0+s19+$0x0], $0xffff  }
0x15b: {  	s12 =	sand.u32 $0x3C00, s8;
	v7 =	vor.u32 $0x80, v0  }
0x15c: {  	s2 =	sadd.s32 $0x14800, s12;
	v8 =	vld.idx.msk [tilespmem:v4+s19+$0x0], $0xffff  }
0x15d: {  	s4 =	sor.u32 s30, s2;
	v9 =	vor.u32 $0x80, v4;
	v10 =	vld.idx.msk [tilespmem:v3+s19+$0x0], $0xffff  }
0x15e: {  	s3 =	sor.u32 s26, s2;
	v11 =	vor.u32 $0x80, v3;
	[tilespmem:s4+$0x0] =	vst v1  }
0x15f: {  	[tilespmem:s3+$0x0] =	vst v2;
	v1 =	vld.idx.msk [tilespmem:v6+s19+$0x0], $0xffff  }
0x160: {  	s13 =	sor.u32 s9, s2;
	v2 =	vld.idx.msk [tilespmem:v7+s19+$0x0], $0xffff;
	v6 =	vor.u32 $0x100, v5  }
0x161: {  	s14 =	sor.u32 s11, s2;
	v7 =	vor.u32 $0x100, v0;
	[tilespmem:s13+$0x0] =	vst v8  }
0x162: {  	v8 =	vld.idx.msk [tilespmem:v9+s19+$0x0], $0xffff;
	[tilespmem:s14+$0x0] =	vst v10  }
0x163: {  	v9 =	vor.u32 $0x100, v4;
	v10 =	vld.idx.msk [tilespmem:v11+s19+$0x0], $0xffff  }
0x164: {  	v11 =	vor.u32 $0x100, v3;
	[tilespmem:s4+$0x80] =	vst v1  }
0x165: {  	[tilespmem:s3+$0x80] =	vst v2;
	v1 =	vld.idx.msk [tilespmem:v6+s19+$0x0], $0xffff  }
0x166: {  	v2 =	vld.idx.msk [tilespmem:v7+s19+$0x0], $0xffff;
	v6 =	vor.u32 $0x180, v5  }
0x167: {  	v7 =	vor.u32 $0x180, v0;
	[tilespmem:s13+$0x80] =	vst v8  }
0x168: {  	v8 =	vld.idx.msk [tilespmem:v9+s19+$0x0], $0xffff;
	[tilespmem:s14+$0x80] =	vst v10  }
0x169: {  	s15 =	simm.s32 $0x40;
	s2 =	simm.s32 $0x40;
	v9 =	vor.u32 $0x180, v4;
	v10 =	vld.idx.msk [tilespmem:v11+s19+$0x0], $0xffff  }
0x16a: {  	s16 =	sand.u32 $0x40, s2;
	v11 =	vld [tilespmem:s15+$0x0];
	[tilespmem:s4+$0x100] =	vst v1  }
0x16b: {  	s21 =	sand.u32 $0x780, s2;
	s12 =	sor.u32 $0x30, s16;
	[tilespmem:s3+$0x100] =	vst v2;
	v1 =	vld.idx.msk [tilespmem:v6+s19+$0x0], $0xffff  }
0x16c: {  	s10 =	sor.u32 s12, s21;
	v2 =	vor.u32 $0x180, v3;
	v6 =	vld.idx.msk [tilespmem:v7+s19+$0x0], $0xffff  }
0x16d: {  	s9 =	sor.u32 $0x10, s16;
	v7 =	vor.u32 $0x200, v5;
	[tilespmem:s13+$0x100] =	vst v8;
	v8 =	vld [tilespmem:s10+$0x0]  }
0x16e: {  	s11 =	sor.u32 $0x20, s16;
	s23 =	sor.u32 s9, s21;
	v9 =	vld.idx.msk [tilespmem:v9+s19+$0x0], $0xffff  }
0x16f: {  	s7 =	sor.u32 s11, s21;
	v13 =	vld [tilespmem:s23+$0x0];
	v12 =	vor.u32 $0x200, v4;
	v14 =	vshll.u32 v11, $0x3  }
0x170: {  	v15 =	vld [tilespmem:s7+$0x0];
	[tilespmem:s14+$0x100] =	vst v10;
	v10 =	vor.u32 $0x200, v0;
	v11 =	vand.u32 $0x7F, v11;
	v14 =	vand.u32 $0xFFFFFC00, v14  }
0x171: {  	p0 =	por $0x0, $0x0;
	v16 =	vld.idx.msk [tilespmem:v2+s19+$0x0], $0xffff;
	[tilespmem:s4+$0x180] =	vst v1;
	v1 =	vor.u32 v11, v14;
	s4 =	simm.s32 $0x1  }
0x172: {  	v11 =	vor.u32 $0x200, v3;
	v7 =	vld.idx.msk [tilespmem:v7+s19+$0x0], $0xffff;
	v2 =	vshll.u32 v8, $0x3;
	s4 =	simm.s32 @!p0 $0x0  }
0x173: {  	v8 =	vand.u32 $0x7F, v8;
	[tilespmem:s13+$0x180] =	vst v9;
	v2 =	vand.u32 $0xFFFFFC00, v2;
	s4 =	sshll.u32 s4, $0x6;
	v9 =	vor.u32 $0x280, v5  }
0x174: {  	v14 =	vor.u32 $0x280, v4;
	[tilespmem:s3+$0x180] =	vst v6;
	v6 =	vld.idx.msk [tilespmem:v12+s19+$0x0], $0xffff;
	v12 =	vshll.u32 v13, $0x3;
	v2 =	vor.u32 v8, v2;
	s6 =	sadd.s32 $0x0, s4  }
0x175: {  	v8 =	vld.idx.msk [tilespmem:v10+s19+$0x0], $0xffff;
	v10 =	vshll.u32 v15, $0x3;
	v13 =	vand.u32 $0x7F, v13;
	v12 =	vand.u32 $0xFFFFFC00, v12;
	s7 =	sadd.s32 $0x30, s6  }
0x176: {  	v10 =	vand.u32 $0xFFFFFC00, v10;
	[tilespmem:s14+$0x180] =	vst v16;
	v17 =	vld.idx.msk [tilespmem:v1+s19+$0x0], $0xffff;
	v21 =	vor.u32 v13, v12;
	v12 =	vand.u32 $0x7F, v15;
	s24 =	sor.u32 $0x200, s7  }
0x177: {  	s10 =	sadd.s32 $0x10, s6;
	v11 =	vld.idx.msk [tilespmem:v11+s19+$0x0], $0xffff;
	v10 =	vor.u32 v12, v10;
	[tilespmem:s24+$0x14800] =	vst v7  }
0x178: {  	s25 =	sor.u32 $0x200, s10;
	v7 =	vor.u32 $0x280, v0;
	v9 =	vld.idx.msk [tilespmem:v9+s19+$0x0], $0xffff  }
0x179: {  	s3 =	simm.s32 $0x200;
	s4 =	sor.u32 $0x200, s6;
	v12 =	vor.u32 $0x280, v3;
	v13 =	vld.idx.msk [tilespmem:v2+s19+$0x0], $0xffff;
	[tilespmem:s25+$0x14800] =	vst v6  }
0x17a: {  	s30 =	sand.u32 $0x3C00, s3;
	s1 =	sadd.s32 $0x20, s6;
	[tilespmem:s4+$0x14800] =	vst v8;
	v8 =	vor.u32 $0x80, v1;
	v6 =	vld.idx.msk [tilespmem:v14+s19+$0x0], $0xffff  }
0x17b: {  	s26 =	sor.u32 $0x200, s1;
	s4 =	sadd.s32 $0x14800, s30;
	v14 =	vor.u32 $0x300, v5;
	v15 =	vld.idx.msk [tilespmem:v21+s19+$0x0], $0xffff  }
0x17c: {  	v16 =	vor.u32 $0x80, v2;
	s29 =	sor.u32 s16, s4;
	[tilespmem:s26+$0x14800] =	vst v11;
	v18 =	vld.idx.msk [tilespmem:v10+s19+$0x0], $0xffff  }
0x17d: {  	s14 =	sor.u32 $0x280, s7;
	v19 =	vor.u32 $0x80, v21;
	[tilespmem:s29+$0x0] =	vst v17;
	v7 =	vld.idx.msk [tilespmem:v7+s19+$0x0], $0xffff  }
0x17e: {  	s25 =	sor.u32 s12, s4;
	v11 =	vor.u32 $0x80, v10;
	v12 =	vld.idx.msk [tilespmem:v12+s19+$0x0], $0xffff;
	[tilespmem:s14+$0x14800] =	vst v9  }
0x17f: {  	s15 =	sor.u32 $0x280, s10;
	v9 =	vor.u32 $0x300, v4;
	[tilespmem:s25+$0x0] =	vst v13;
	v8 =	vld.idx.msk [tilespmem:v8+s19+$0x0], $0xffff  }
0x180: {  	s28 =	sor.u32 s9, s4;
	v13 =	vld.idx.msk [tilespmem:v14+s19+$0x0], $0xffff;
	v14 =	vor.u32 $0x300, v3;
	[tilespmem:s15+$0x14800] =	vst v6  }
0x181: {  	v5 =	vor.u32 $0x380, v5;
	s14 =	sor.u32 s11, s4;
	v16 =	vld.idx.msk [tilespmem:v16+s19+$0x0], $0xffff;
	[tilespmem:s28+$0x0] =	vst v15  }
0x182: {  	s16 =	sor.u32 $0x280, s1;
	v17 =	vor.u32 $0x100, v2;
	v15 =	vld.idx.msk [tilespmem:v19+s19+$0x0], $0xffff;
	[tilespmem:s14+$0x0] =	vst v18  }
0x183: {  	v19 =	vor.u32 $0x100, v1;
	[tilespmem:s16+$0x14800] =	vst v12;
	v20 =	vld.idx.msk [tilespmem:v11+s19+$0x0], $0xffff  }
0x184: {  	s21 =	sor.u32 $0x300, s7;
	v6 =	vor.u32 $0x100, v21;
	v22 =	vld.idx.msk [tilespmem:v9+s19+$0x0], $0xffff;
	[tilespmem:s29+$0x80] =	vst v8  }
0x185: {  	v23 =	vor.u32 $0x100, v10;
	v14 =	vld.idx.msk [tilespmem:v14+s19+$0x0], $0xffff;
	[tilespmem:s21+$0x14800] =	vst v13  }
0x186: {  	[tilespmem:s25+$0x80] =	vst v16;
	v16 =	vor.u32 $0x300, v0;
	v24 =	vld.idx.msk [tilespmem:v5+s19+$0x0], $0xffff  }
0x187: {  	v25 =	vor.u32 $0x380, v4;
	v18 =	vld.idx.msk [tilespmem:v17+s19+$0x0], $0xffff;
	[tilespmem:s28+$0x80] =	vst v15  }
0x188: {  	s24 =	sor.u32 $0x300, s10;
	v4 =	vor.u32 $0x380, v21;
	v17 =	vld.idx.msk [tilespmem:v19+s19+$0x0], $0xffff;
	[tilespmem:s14+$0x80] =	vst v20  }
0x189: {  	s23 =	sor.u32 $0x280, s6;
	v11 =	vor.u32 $0x200, v21;
	v8 =	vor.u32 $0x280, v21;
	v19 =	vld.idx.msk [tilespmem:v6+s19+$0x0], $0xffff;
	[tilespmem:s24+$0x14800] =	vst v22;
	v22 =	vor.u32 $0x180, v2  }
0x18a: {  	s8 =	sor.u32 $0x380, s6;
	[tilespmem:s23+$0x14800] =	vst v7;
	v13 =	vor.u32 $0x180, v21;
	v6 =	vor.u32 $0x300, v21;
	v21 =	vor.u32 $0x180, v1;
	v20 =	vld.idx.msk [tilespmem:v23+s19+$0x0], $0xffff  }
0x18b: {  	s13 =	sor.u32 $0x380, s1;
	s30 =	sor.u32 $0x380, s7;
	s7 =	simm.s32 $0x80;
	v3 =	vor.u32 $0x380, v3;
	v12 =	vor.u32 $0x180, v10;
	v7 =	vor.u32 $0x280, v10;
	v15 =	vld.idx.msk [tilespmem:v16+s19+$0x0], $0xffff  }
0x18c: {  	s26 =	sor.u32 $0x300, s1;
	s15 =	sor.u32 $0x380, s10;
	s16 =	sor.u32 $0x300, s6;
	v9 =	vor.u32 $0x200, v10;
	v5 =	vor.u32 $0x300, v10;
	v10 =	vor.u32 $0x380, v10;
	v16 =	vld.idx.msk [tilespmem:v25+s19+$0x0], $0xffff;
	[tilespmem:s30+$0x14800] =	vst v24  }
.LBB2_7:
0x18d: {  	s2 =	sadd.s32 $0x40, s2;
	v23 =	vld [tilespmem:s7+$0x0];
	[tilespmem:s25+$0x100] =	vst v18  }
0x18e: {  	s21 =	sand.u32 $0x40, s2;
	p1 =	slt.u32 s2, $0x7C0;
	[tilespmem:s29+$0x100] =	vst v17;
	v17 =	vld.idx.msk [tilespmem:v22+s19+$0x0], $0xffff  }
0x18f: {  	s1 =	sand.u32 $0x780, s2;
	s6 =	sor.u32 $0x10, s21;
	s23 =	sor.u32 $0x30, s21;
	v18 =	vld.idx.msk [tilespmem:v21+s19+$0x0], $0xffff;
	[tilespmem:s28+$0x100] =	vst v19  }
0x190: {  	s10 =	sor.u32 $0x20, s21;
	v19 =	vor.u32 $0x200, v2;
	s4 =	sor.u32 s6, s1;
	s9 =	sor.u32 s23, s1;
	v13 =	vld.idx.msk [tilespmem:v13+s19+$0x0], $0xffff;
	[tilespmem:s14+$0x100] =	vst v20  }
0x191: {  	v21 =	vor.u32 $0x200, v1;
	s1 =	sor.u32 s10, s1;
	v20 =	vld [tilespmem:s9+$0x0];
	[tilespmem:s26+$0x14800] =	vst v14  }
0x192: {  	v14 =	vld [tilespmem:s4+$0x0];
	[tilespmem:s16+$0x14800] =	vst v15  }
0x193: {  	v15 =	vshll.u32 v23, $0x3;
	v22 =	vld [tilespmem:s1+$0x0];
	[tilespmem:s15+$0x14800] =	vst v16  }
0x194: {  	v16 =	vand.u32 $0x7F, v23;
	v15 =	vand.u32 $0xFFFFFC00, v15;
	v12 =	vld.idx.msk [tilespmem:v12+s19+$0x0], $0xffff;
	[tilespmem:s25+$0x180] =	vst v17;
	v17 =	vor.u32 $0x380, v0;
	v0 =	vmovc v1  }
0x195: {  	p0 =	por !p0, !p0;
	s1 =	simm.s32 $0x1;
	v1 =	vor.u32 v16, v15;
	[tilespmem:s29+$0x180] =	vst v18;
	v15 =	vld.idx.msk [tilespmem:v19+s19+$0x0], $0xffff  }
0x196: {  	s1 =	simm.s32 @!p0 $0x0;
	v16 =	vshll.u32 v20, $0x3;
	v18 =	vld.idx.msk [tilespmem:v21+s19+$0x0], $0xffff;
	[tilespmem:s28+$0x180] =	vst v13  }
0x197: {  	s1 =	sshll.u32 s1, $0x6;
	v13 =	vand.u32 $0x7F, v20;
	v16 =	vand.u32 $0xFFFFFC00, v16;
	v19 =	vld.idx.msk [tilespmem:v11+s19+$0x0], $0xffff;
	v11 =	vor.u32 $0x280, v2  }
0x198: {  	s24 =	sadd.s32 s1, s3;
	v20 =	vshll.u32 v14, $0x3;
	v21 =	vshll.u32 v22, $0x3;
	v16 =	vor.u32 v13, v16;
	v23 =	vld.idx.msk [tilespmem:v3+s19+$0x0], $0xffff;
	v3 =	vmovc v10  }
0x199: {  	s15 =	sadd.s32 $0x10, s24;
	s25 =	sadd.s32 $0x20, s24;
	s9 =	sadd.s32 $0x30, s24;
	v10 =	vand.u32 $0x7F, v14;
	v13 =	vand.u32 $0xFFFFFC00, v20;
	v14 =	vand.u32 $0xFFFFFC00, v21;
	v17 =	vld.idx.msk [tilespmem:v17+s19+$0x0], $0xffff  }
0x19a: {  	s28 =	sor.u32 $0x200, s15;
	s11 =	sor.u32 $0x200, s9;
	v10 =	vor.u32 v10, v13;
	v13 =	vand.u32 $0x7F, v22;
	v21 =	vor.u32 $0x280, v0;
	v20 =	vld.idx.msk [tilespmem:v1+s19+$0x0], $0xffff;
	[tilespmem:s14+$0x180] =	vst v12;
	s14 =	sor.u32 $0x200, s25  }
0x19b: {  	s12 =	sor.u32 $0x200, s24;
	s4 =	sor.u32 $0x280, s15;
	s1 =	sor.u32 $0x280, s25;
	v22 =	vor.u32 $0x80, v10;
	v24 =	vor.u32 $0x100, v10;
	v14 =	vor.u32 v13, v14;
	v25 =	vld.idx.msk [tilespmem:v9+s19+$0x0], $0xffff;
	[tilespmem:s11+$0x14800] =	vst v15  }
0x19c: {  	s26 =	sor.u32 $0x300, s25;
	v13 =	vor.u32 $0x180, v10;
	v15 =	vor.u32 $0x80, v14;
	v26 =	vor.u32 $0x100, v14;
	s11 =	sor.u32 $0x300, s15;
	[tilespmem:s12+$0x14800] =	vst v18;
	s12 =	sor.u32 $0x280, s24;
	v18 =	vld.idx.msk [tilespmem:v11+s19+$0x0], $0xffff  }
0x19d: {  	s16 =	sor.u32 $0x300, s24;
	s25 =	sor.u32 $0x380, s25;
	v12 =	vor.u32 $0x180, v14;
	v9 =	vor.u32 $0x200, v14;
	s15 =	sor.u32 $0x380, s15;
	v11 =	vor.u32 $0x200, v10;
	v27 =	vld.idx.msk [tilespmem:v16+s19+$0x0], $0xffff;
	[tilespmem:s28+$0x14800] =	vst v19  }
0x19e: {  	v29 =	vor.u32 $0x300, v2;
	s24 =	sor.u32 $0x380, s24;
	v19 =	vor.u32 $0x280, v14;
	v28 =	vld.idx.msk [tilespmem:v8+s19+$0x0], $0xffff;
	v8 =	vor.u32 $0x280, v10;
	[tilespmem:s13+$0x14800] =	vst v23;
	s13 =	smov.u32 s25  }
0x19f: {  	s3 =	sadd.s32 $0x200, s3;
	v32 =	vor.u32 $0x80, v16;
	v30 =	vor.u32 $0x300, v10;
	v31 =	vor.u32 $0x300, v14;
	v23 =	vld.idx.msk [tilespmem:v10+s19+$0x0], $0xffff;
	[tilespmem:s8+$0x14800] =	vst v17;
	s8 =	smov.u32 s24  }
0x1a0: {  	v33 =	vor.u32 $0x380, v10;
	s24 =	sand.u32 $0x3C00, s3;
	v17 =	vor.u32 $0x80, v1;
	v10 =	vor.u32 $0x380, v14;
	v34 =	vld.idx.msk [tilespmem:v14+s19+$0x0], $0xffff  }
0x1a1: {  	s29 =	sor.u32 $0x280, s9;
	s24 =	sadd.s32 $0x14800, s24;
	v35 =	vld.idx.msk [tilespmem:v21+s19+$0x0], $0xffff;
	[tilespmem:s14+$0x14800] =	vst v25  }
0x1a2: {  	s28 =	sor.u32 s6, s24;
	s14 =	sor.u32 s10, s24;
	s25 =	sor.u32 s23, s24;
	v14 =	vld.idx.msk [tilespmem:v7+s19+$0x0], $0xffff;
	[tilespmem:s29+$0x14800] =	vst v18;
	v7 =	vmov v19  }
0x1a3: {  	s29 =	sor.u32 s21, s24;
	[tilespmem:s25+$0x0] =	vst v27;
	v18 =	vld.idx.msk [tilespmem:v29+s19+$0x0], $0xffff  }
0x1a4: {  	[tilespmem:s29+$0x0] =	vst v20;
	v19 =	vld.idx.msk [tilespmem:v32+s19+$0x0], $0xffff  }
0x1a5: {  	v20 =	vor.u32 $0x380, v2;
	v2 =	vmov v16;
	v17 =	vld.idx.msk [tilespmem:v17+s19+$0x0], $0xffff;
	[tilespmem:s28+$0x0] =	vst v23  }
0x1a6: {  	v21 =	vor.u32 $0x100, v2;
	v16 =	vld.idx.msk [tilespmem:v22+s19+$0x0], $0xffff;
	[tilespmem:s14+$0x0] =	vst v34  }
0x1a7: {  	v22 =	vor.u32 $0x100, v1;
	v15 =	vld.idx.msk [tilespmem:v15+s19+$0x0], $0xffff;
	[tilespmem:s4+$0x14800] =	vst v28  }
0x1a8: {  	v23 =	vld.idx.msk [tilespmem:v6+s19+$0x0], $0xffff;
	[tilespmem:s1+$0x14800] =	vst v14;
	s1 =	sor.u32 $0x300, s9;
	v6 =	vmov v30  }
0x1a9: {  	v14 =	vld.idx.msk [tilespmem:v5+s19+$0x0], $0xffff;
	[tilespmem:s1+$0x14800] =	vst v18;
	v5 =	vmov v31  }
0x1aa: {  	v25 =	vor.u32 $0x300, v0;
	[tilespmem:s25+$0x80] =	vst v19;
	v27 =	vld.idx.msk [tilespmem:v20+s19+$0x0], $0xffff  }
0x1ab: {  	[tilespmem:s29+$0x80] =	vst v17;
	v18 =	vld.idx.msk [tilespmem:v21+s19+$0x0], $0xffff  }
.Ltmp2:
0x1ac: {  	v17 =	vld.idx.msk [tilespmem:v22+s19+$0x0], $0xffff;
	[tilespmem:s28+$0x80] =	vst v16;
	(pc) =	sbr.rel @p1 .LBB2_7-.Ltmp2, $4  }
0x1ad: {  	v22 =	vor.u32 $0x180, v2;
	v19 =	vld.idx.msk [tilespmem:v24+s19+$0x0], $0xffff;
	[tilespmem:s14+$0x80] =	vst v15  }
0x1ae: {  	v21 =	vor.u32 $0x180, v1;
	v20 =	vld.idx.msk [tilespmem:v26+s19+$0x0], $0xffff;
	[tilespmem:s12+$0x14800] =	vst v35  }
0x1af: {  	s1 =	sor.u32 $0x380, s9;
	v15 =	vld.idx.msk [tilespmem:v25+s19+$0x0], $0xffff;
	[tilespmem:s11+$0x14800] =	vst v23  }
0x1b0: {  	s7 =	sadd.s32 $0x40, s7;
	v16 =	vld.idx.msk [tilespmem:v4+s19+$0x0], $0xffff;
	[tilespmem:s1+$0x14800] =	vst v27;
	v4 =	vmov v33  }
0x1b1: {  	_ =	sdelay $0x2  }
0x1b2: {  	[tilespmem:s25+$0x100] =	vst v18  }
0x1b3: {  	[tilespmem:s29+$0x100] =	vst v17;
	v18 =	vld.idx.msk [tilespmem:v22+s19+$0x0], $0xffff  }
0x1b4: {  	v53 =	vor.u32 $0x200, v2;
	[tilespmem:s28+$0x100] =	vst v19;
	v17 =	vld.idx.msk [tilespmem:v21+s19+$0x0], $0xffff  }
0x1b5: {  	v54 =	vor.u32 $0x200, v1;
	v13 =	vld.idx.msk [tilespmem:v13+s19+$0x0], $0xffff;
	[tilespmem:s14+$0x100] =	vst v20  }
0x1b6: {  	v12 =	vld.idx.msk [tilespmem:v12+s19+$0x0], $0xffff;
	_ =	sdelay $0x1  }
0x1b7: {  	p0 =	por !p0, !p0;
	s1 =	simm.s32 $0x1;
	[tilespmem:s25+$0x180] =	vst v18  }
0x1b8: {  	s1 =	simm.s32 @!p0 $0x0;
	[tilespmem:s29+$0x180] =	vst v17;
	v18 =	vld.idx.msk [tilespmem:v53+s19+$0x0], $0xffff  }
0x1b9: {  	v55 =	vor.u32 $0x280, v2;
	s1 =	sshll.u32 s1, $0x6;
	[tilespmem:s28+$0x180] =	vst v13;
	v56 =	vld.idx.msk [tilespmem:v54+s19+$0x0], $0xffff  }
0x1ba: {  	v57 =	vor.u32 $0x280, v1;
	s1 =	sadd.s32 s1, s3;
	v11 =	vld.idx.msk [tilespmem:v11+s19+$0x0], $0xffff;
	[tilespmem:s14+$0x180] =	vst v12  }
0x1bb: {  	s2 =	sadd.s32 $0x30, s1;
	v9 =	vld.idx.msk [tilespmem:v9+s19+$0x0], $0xffff  }
0x1bc: {  	s4 =	sor.u32 $0x200, s2  }
0x1bd: {  	s3 =	sadd.s32 $0x10, s1;
	s10 =	sor.u32 $0x200, s1;
	[tilespmem:s4+$0x14800] =	vst v18  }
0x1be: {  	s6 =	sadd.s32 $0x20, s1;
	s7 =	sor.u32 $0x200, s3;
	[tilespmem:s10+$0x14800] =	vst v56;
	v13 =	vld.idx.msk [tilespmem:v55+s19+$0x0], $0xffff  }
0x1bf: {  	v58 =	vor.u32 $0x300, v2;
	s9 =	sor.u32 $0x200, s6;
	[tilespmem:s7+$0x14800] =	vst v11;
	v59 =	vld.idx.msk [tilespmem:v57+s19+$0x0], $0xffff  }
0x1c0: {  	v60 =	vor.u32 $0x300, v1;
	v8 =	vld.idx.msk [tilespmem:v8+s19+$0x0], $0xffff;
	[tilespmem:s9+$0x14800] =	vst v9  }
0x1c1: {  	v7 =	vld.idx.msk [tilespmem:v7+s19+$0x0], $0xffff  }
0x1c2: {  	[tilespmem:s26+$0x14800] =	vst v14;
	s11 =	sor.u32 $0x280, s2  }
0x1c3: {  	s21 =	sor.u32 $0x280, s1;
	[tilespmem:s11+$0x14800] =	vst v13  }
0x1c4: {  	v0 =	vor.u32 $0x380, v0;
	s12 =	sor.u32 $0x280, s3;
	[tilespmem:s21+$0x14800] =	vst v59;
	v11 =	vld.idx.msk [tilespmem:v58+s19+$0x0], $0xffff  }
0x1c5: {  	v61 =	vor.u32 $0x380, v2;
	s14 =	sor.u32 $0x280, s6;
	[tilespmem:s12+$0x14800] =	vst v8;
	v62 =	vld.idx.msk [tilespmem:v60+s19+$0x0], $0xffff  }
0x1c6: {  	v63 =	vor.u32 $0x380, v1;
	v6 =	vld.idx.msk [tilespmem:v6+s19+$0x0], $0xffff;
	[tilespmem:s14+$0x14800] =	vst v7  }
0x1c7: {  	[tilespmem:s16+$0x14800] =	vst v15;
	v5 =	vld.idx.msk [tilespmem:v5+s19+$0x0], $0xffff  }
0x1c8: {  	v3 =	vld.idx.msk [tilespmem:v3+s19+$0x0], $0xffff;
	[tilespmem:s15+$0x14800] =	vst v16;
	s23 =	sor.u32 $0x300, s2  }
0x1c9: {  	s26 =	sor.u32 $0x300, s1;
	v0 =	vld.idx.msk [tilespmem:v0+s19+$0x0], $0xffff;
	[tilespmem:s23+$0x14800] =	vst v11  }
0x1ca: {  	s24 =	sor.u32 $0x300, s3;
	[tilespmem:s26+$0x14800] =	vst v62;
	v2 =	vld.idx.msk [tilespmem:v61+s19+$0x0], $0xffff  }
0x1cb: {  	s25 =	sor.u32 $0x300, s6;
	[tilespmem:s24+$0x14800] =	vst v6;
	v1 =	vld.idx.msk [tilespmem:v63+s19+$0x0], $0xffff  }
0x1cc: {  	v4 =	vld.idx.msk [tilespmem:v4+s19+$0x0], $0xffff;
	[tilespmem:s25+$0x14800] =	vst v5  }
0x1cd: {  	s31 =	sadd.s32 $0x1, s31;
	[tilespmem:s13+$0x14800] =	vst v3;
	v5 =	vld.idx.msk [tilespmem:v10+s19+$0x0], $0xffff  }
0x1ce: {  	p0 =	sne.s32 s31, $0xA;
	s2 =	sor.u32 $0x380, s2;
	[tilespmem:s8+$0x14800] =	vst v0  }
.Ltmp3:
0x1cf: {  	s1 =	sor.u32 $0x380, s1;
	[tilespmem:s2+$0x14800] =	vst v2;
	(pc) =	sbr.rel @p0 .LBB2_2-.Ltmp3, $4  }
0x1d0: {  	s3 =	sor.u32 $0x380, s3;
	[tilespmem:s1+$0x14800] =	vst v1  }
0x1d1: {  	s29 =	rddreg [dreg:$0x2];
	s28 =	sor.u32 $0x380, s6;
	[tilespmem:s3+$0x14800] =	vst v4  }
0x1d2: {  	s30 =	simm.s32 $0x14800;
	s0 =	sadd.s32 s29, s0;
	[tilespmem:s28+$0x14800] =	vst v5  }
0x1d3: {  	[hbm4b:s0+s5] =	stream.linear.scatter [tilespmem:s30], [sflag:$0x6], $0x4000, $0x38;
	[tilespmem:$0x18800] =	vst v63  }
0x1d4: {  	_ =	swait.ge [sflag:s20], $0x4000  }
0x1d5: {  	[sflag:s20] =	ssyncset.done $0x0  }
0x1d6: {  	s0 =	simm.s32 $0x0;
	s29 =	simm.s32 $0x4;
	[sflag:s20] =	ssyncadd.s32 $0xFFFFC000  }
0x1d7: {  	s1 =	sand.u32 $0x40, s0;
	_ =	swait.ge [sflag:s29], $0x4000  }
0x1d8: {  	s0 =	sand.u32 $0x780, s0;
	s2 =	sor.u32 $0x30, s1;
	[sflag:s29] =	ssyncset.done $0x0  }
0x1d9: {  	s3 =	sor.u32 s2, s0;
	[sflag:s29] =	ssyncadd.s32 $0xFFFFC000  }
0x1da: {  	s4 =	simm.s32 $0x0;
	v0 =	vld [tilespmem:s3+$0x0]  }
0x1db: {  	s11 =	sor.u32 $0x10, s1;
	v1 =	vld [tilespmem:s4+$0x0]  }
0x1dc: {  	s7 =	sor.u32 $0x20, s1;
	s6 =	sor.u32 s11, s0  }
0x1dd: {  	s0 =	sor.u32 s7, s0;
	v2 =	vld [tilespmem:s6+$0x0]  }
0x1de: {  	v3 =	vld [tilespmem:s0+$0x0]  }
0x1df: {  	v4 =	vshll.u32 v0, $0x3  }
0x1e0: {  	v5 =	vshll.u32 v1, $0x3;
	v0 =	vand.u32 $0x7F, v0;
	v4 =	vand.u32 $0xFFFFFC00, v4  }
0x1e1: {  	v1 =	vand.u32 $0x7F, v1;
	v6 =	vand.u32 $0xFFFFFC00, v5;
	v5 =	vor.u32 v0, v4  }
0x1e2: {  	v0 =	vor.u32 v1, v6;
	v1 =	vshll.u32 v2, $0x3  }
0x1e3: {  	v4 =	vshll.u32 v3, $0x3;
	v2 =	vand.u32 $0x7F, v2;
	v1 =	vand.u32 $0xFFFFFC00, v1  }
0x1e4: {  	v6 =	vand.u32 $0xFFFFFC00, v4;
	v4 =	vor.u32 v2, v1;
	v1 =	vand.u32 $0x7F, v3  }
0x1e5: {  	v3 =	vor.u32 v1, v6  }
0x1e6: {  	v1 =	vld.idx.msk [tilespmem:v5+s17+$0x0], $0xffff  }
0x1e7: {  	v6 =	vor.u32 $0x80, v5;
	v2 =	vld.idx.msk [tilespmem:v0+s17+$0x0], $0xffff  }
0x1e8: {  	s12 =	sand.u32 $0x3C00, s4;
	v7 =	vor.u32 $0x80, v0  }
0x1e9: {  	s0 =	sadd.s32 $0xC800, s12;
	v8 =	vld.idx.msk [tilespmem:v4+s17+$0x0], $0xffff  }
0x1ea: {  	s13 =	sor.u32 s2, s0;
	v9 =	vor.u32 $0x80, v4;
	v10 =	vld.idx.msk [tilespmem:v3+s17+$0x0], $0xffff  }
0x1eb: {  	s14 =	sor.u32 s1, s0;
	v11 =	vor.u32 $0x80, v3;
	[tilespmem:s13+$0x0] =	vst v1  }
0x1ec: {  	[tilespmem:s14+$0x0] =	vst v2;
	v1 =	vld.idx.msk [tilespmem:v6+s17+$0x0], $0xffff  }
0x1ed: {  	s3 =	sor.u32 s11, s0;
	v2 =	vld.idx.msk [tilespmem:v7+s17+$0x0], $0xffff;
	v6 =	vor.u32 $0x100, v5  }
0x1ee: {  	s15 =	sor.u32 s7, s0;
	v7 =	vor.u32 $0x100, v0;
	[tilespmem:s3+$0x0] =	vst v8  }
0x1ef: {  	v8 =	vld.idx.msk [tilespmem:v9+s17+$0x0], $0xffff;
	[tilespmem:s15+$0x0] =	vst v10  }
0x1f0: {  	v9 =	vor.u32 $0x100, v4;
	v10 =	vld.idx.msk [tilespmem:v11+s17+$0x0], $0xffff  }
0x1f1: {  	v11 =	vor.u32 $0x100, v3;
	[tilespmem:s13+$0x80] =	vst v1  }
0x1f2: {  	[tilespmem:s14+$0x80] =	vst v2;
	v1 =	vld.idx.msk [tilespmem:v6+s17+$0x0], $0xffff  }
0x1f3: {  	v2 =	vld.idx.msk [tilespmem:v7+s17+$0x0], $0xffff;
	v6 =	vor.u32 $0x180, v5  }
0x1f4: {  	v7 =	vor.u32 $0x180, v0;
	[tilespmem:s3+$0x80] =	vst v8  }
0x1f5: {  	v8 =	vld.idx.msk [tilespmem:v9+s17+$0x0], $0xffff;
	[tilespmem:s15+$0x80] =	vst v10  }
0x1f6: {  	s16 =	simm.s32 $0x40;
	s0 =	simm.s32 $0x40;
	v9 =	vor.u32 $0x180, v4;
	v10 =	vld.idx.msk [tilespmem:v11+s17+$0x0], $0xffff  }
0x1f7: {  	s21 =	sand.u32 $0x40, s0;
	v11 =	vld [tilespmem:s16+$0x0];
	[tilespmem:s13+$0x100] =	vst v1  }
0x1f8: {  	s23 =	sand.u32 $0x780, s0;
	s11 =	sor.u32 $0x30, s21;
	[tilespmem:s14+$0x100] =	vst v2;
	v1 =	vld.idx.msk [tilespmem:v6+s17+$0x0], $0xffff  }
0x1f9: {  	s9 =	sor.u32 s11, s23;
	v2 =	vor.u32 $0x180, v3;
	v6 =	vld.idx.msk [tilespmem:v7+s17+$0x0], $0xffff  }
0x1fa: {  	s8 =	sor.u32 $0x10, s21;
	v7 =	vor.u32 $0x200, v5;
	[tilespmem:s3+$0x100] =	vst v8;
	v8 =	vld [tilespmem:s9+$0x0]  }
0x1fb: {  	s24 =	sor.u32 $0x20, s21;
	s10 =	sor.u32 s8, s23;
	v9 =	vld.idx.msk [tilespmem:v9+s17+$0x0], $0xffff  }
0x1fc: {  	s6 =	sor.u32 s24, s23;
	v13 =	vld [tilespmem:s10+$0x0];
	v12 =	vor.u32 $0x200, v4;
	v14 =	vshll.u32 v11, $0x3  }
0x1fd: {  	v15 =	vld [tilespmem:s6+$0x0];
	[tilespmem:s15+$0x100] =	vst v10;
	v10 =	vor.u32 $0x200, v0;
	v11 =	vand.u32 $0x7F, v11;
	v14 =	vand.u32 $0xFFFFFC00, v14  }
0x1fe: {  	p0 =	por $0x0, $0x0;
	s4 =	simm.s32 $0x1;
	v16 =	vld.idx.msk [tilespmem:v2+s17+$0x0], $0xffff;
	[tilespmem:s13+$0x180] =	vst v1;
	v1 =	vor.u32 v11, v14  }
0x1ff: {  	s4 =	simm.s32 @!p0 $0x0;
	v11 =	vor.u32 $0x200, v3;
	v7 =	vld.idx.msk [tilespmem:v7+s17+$0x0], $0xffff;
	v2 =	vshll.u32 v8, $0x3  }
0x200: {  	s26 =	sshll.u32 s4, $0x6;
	v8 =	vand.u32 $0x7F, v8;
	[tilespmem:s3+$0x180] =	vst v9;
	v2 =	vand.u32 $0xFFFFFC00, v2;
	v9 =	vor.u32 $0x280, v5  }
0x201: {  	v14 =	vor.u32 $0x280, v4;
	[tilespmem:s14+$0x180] =	vst v6;
	s3 =	sadd.s32 $0x0, s26;
	v6 =	vld.idx.msk [tilespmem:v12+s17+$0x0], $0xffff;
	v12 =	vshll.u32 v13, $0x3;
	v2 =	vor.u32 v8, v2  }
0x202: {  	v8 =	vld.idx.msk [tilespmem:v10+s17+$0x0], $0xffff;
	v10 =	vshll.u32 v15, $0x3;
	v13 =	vand.u32 $0x7F, v13;
	s6 =	sadd.s32 $0x30, s3;
	v12 =	vand.u32 $0xFFFFFC00, v12  }
0x203: {  	v10 =	vand.u32 $0xFFFFFC00, v10;
	[tilespmem:s15+$0x180] =	vst v16;
	s30 =	sor.u32 $0x200, s6;
	v17 =	vld.idx.msk [tilespmem:v1+s17+$0x0], $0xffff;
	v21 =	vor.u32 v13, v12;
	v12 =	vand.u32 $0x7F, v15  }
0x204: {  	s31 =	sadd.s32 $0x10, s3;
	v11 =	vld.idx.msk [tilespmem:v11+s17+$0x0], $0xffff;
	v10 =	vor.u32 v12, v10;
	[tilespmem:s30+$0xC800] =	vst v7  }
0x205: {  	s12 =	sor.u32 $0x200, s31;
	v7 =	vor.u32 $0x280, v0;
	v9 =	vld.idx.msk [tilespmem:v9+s17+$0x0], $0xffff  }
0x206: {  	s2 =	simm.s32 $0x200;
	s13 =	sor.u32 $0x200, s3;
	v12 =	vor.u32 $0x280, v3;
	v13 =	vld.idx.msk [tilespmem:v2+s17+$0x0], $0xffff;
	[tilespmem:s12+$0xC800] =	vst v6  }
0x207: {  	s14 =	sand.u32 $0x3C00, s2;
	s1 =	sadd.s32 $0x20, s3;
	[tilespmem:s13+$0xC800] =	vst v8;
	v8 =	vor.u32 $0x80, v1;
	v6 =	vld.idx.msk [tilespmem:v14+s17+$0x0], $0xffff  }
0x208: {  	s4 =	sadd.s32 $0xC800, s14;
	s12 =	sor.u32 $0x200, s1;
	v14 =	vor.u32 $0x300, v5;
	v15 =	vld.idx.msk [tilespmem:v21+s17+$0x0], $0xffff  }
0x209: {  	s28 =	sor.u32 s21, s4;
	v16 =	vor.u32 $0x80, v2;
	[tilespmem:s12+$0xC800] =	vst v11;
	v18 =	vld.idx.msk [tilespmem:v10+s17+$0x0], $0xffff  }
0x20a: {  	s15 =	sor.u32 $0x280, s6;
	v19 =	vor.u32 $0x80, v21;
	[tilespmem:s28+$0x0] =	vst v17;
	v22 =	vld.idx.msk [tilespmem:v7+s17+$0x0], $0xffff  }
0x20b: {  	s25 =	sor.u32 s11, s4;
	v7 =	vor.u32 $0x80, v10;
	v11 =	vld.idx.msk [tilespmem:v12+s17+$0x0], $0xffff;
	[tilespmem:s15+$0xC800] =	vst v9  }
0x20c: {  	s16 =	sor.u32 $0x280, s31;
	v9 =	vor.u32 $0x300, v4;
	[tilespmem:s25+$0x0] =	vst v13;
	v8 =	vld.idx.msk [tilespmem:v8+s17+$0x0], $0xffff  }
0x20d: {  	s26 =	sor.u32 s8, s4;
	v13 =	vor.u32 $0x300, v3;
	v12 =	vld.idx.msk [tilespmem:v14+s17+$0x0], $0xffff;
	[tilespmem:s16+$0xC800] =	vst v6  }
0x20e: {  	s13 =	sor.u32 s24, s4;
	v5 =	vor.u32 $0x380, v5;
	v16 =	vld.idx.msk [tilespmem:v16+s17+$0x0], $0xffff;
	[tilespmem:s26+$0x0] =	vst v15  }
0x20f: {  	s21 =	sor.u32 $0x280, s1;
	v17 =	vor.u32 $0x100, v2;
	v15 =	vld.idx.msk [tilespmem:v19+s17+$0x0], $0xffff;
	[tilespmem:s13+$0x0] =	vst v18  }
0x210: {  	s24 =	sor.u32 $0x280, s3;
	v19 =	vor.u32 $0x100, v1;
	[tilespmem:s21+$0xC800] =	vst v11;
	v7 =	vld.idx.msk [tilespmem:v7+s17+$0x0], $0xffff  }
0x211: {  	s23 =	sor.u32 $0x300, s6;
	v6 =	vor.u32 $0x100, v21;
	[tilespmem:s24+$0xC800] =	vst v22;
	v23 =	vld.idx.msk [tilespmem:v9+s17+$0x0], $0xffff  }
0x212: {  	v20 =	vor.u32 $0x100, v10;
	v14 =	vld.idx.msk [tilespmem:v13+s17+$0x0], $0xffff;
	[tilespmem:s23+$0xC800] =	vst v12  }
0x213: {  	[tilespmem:s25+$0x80] =	vst v16;
	v16 =	vor.u32 $0x300, v0;
	v24 =	vld.idx.msk [tilespmem:v5+s17+$0x0], $0xffff  }
0x214: {  	v25 =	vor.u32 $0x380, v4;
	[tilespmem:s28+$0x80] =	vst v8;
	v18 =	vld.idx.msk [tilespmem:v17+s17+$0x0], $0xffff  }
0x215: {  	v4 =	vor.u32 $0x380, v21;
	v17 =	vld.idx.msk [tilespmem:v19+s17+$0x0], $0xffff;
	[tilespmem:s26+$0x80] =	vst v15  }
0x216: {  	v11 =	vor.u32 $0x200, v21;
	v22 =	vor.u32 $0x180, v2;
	v13 =	vor.u32 $0x180, v21;
	v19 =	vld.idx.msk [tilespmem:v6+s17+$0x0], $0xffff;
	[tilespmem:s13+$0x80] =	vst v7  }
0x217: {  	s14 =	simm.s32 $0x80;
	s30 =	sor.u32 $0x300, s31;
	v8 =	vor.u32 $0x280, v21;
	v6 =	vor.u32 $0x300, v21;
	v21 =	vor.u32 $0x180, v1;
	v20 =	vld.idx.msk [tilespmem:v20+s17+$0x0], $0xffff  }
0x218: {  	s7 =	sor.u32 $0x380, s31;
	s8 =	sor.u32 $0x380, s1;
	s31 =	sor.u32 $0x380, s6;
	v3 =	vor.u32 $0x380, v3;
	v9 =	vor.u32 $0x200, v10;
	v12 =	vor.u32 $0x180, v10;
	[tilespmem:s30+$0xC800] =	vst v23;
	v15 =	vld.idx.msk [tilespmem:v16+s17+$0x0], $0xffff  }
0x219: {  	s15 =	sor.u32 $0x300, s3;
	s3 =	sor.u32 $0x380, s3;
	s16 =	sor.u32 $0x300, s1;
	v5 =	vor.u32 $0x300, v10;
	v7 =	vor.u32 $0x280, v10;
	v10 =	vor.u32 $0x380, v10;
	v16 =	vld.idx.msk [tilespmem:v25+s17+$0x0], $0xffff;
	[tilespmem:s31+$0xC800] =	vst v24  }
.LBB2_10:
0x21a: {  	s0 =	sadd.s32 $0x40, s0;
	v23 =	vld [tilespmem:s14+$0x0];
	[tilespmem:s25+$0x100] =	vst v18  }
0x21b: {  	s21 =	sand.u32 $0x40, s0;
	p1 =	slt.u32 s0, $0x7C0;
	[tilespmem:s28+$0x100] =	vst v17;
	v17 =	vld.idx.msk [tilespmem:v22+s17+$0x0], $0xffff  }
0x21c: {  	s1 =	sand.u32 $0x780, s0;
	s6 =	sor.u32 $0x10, s21;
	s23 =	sor.u32 $0x30, s21;
	v18 =	vld.idx.msk [tilespmem:v21+s17+$0x0], $0xffff;
	[tilespmem:s26+$0x100] =	vst v19  }
0x21d: {  	s10 =	sor.u32 $0x20, s21;
	v19 =	vor.u32 $0x200, v2;
	s4 =	sor.u32 s6, s1;
	s9 =	sor.u32 s23, s1;
	v13 =	vld.idx.msk [tilespmem:v13+s17+$0x0], $0xffff;
	[tilespmem:s13+$0x100] =	vst v20  }
0x21e: {  	v21 =	vor.u32 $0x200, v1;
	s1 =	sor.u32 s10, s1;
	v20 =	vld [tilespmem:s9+$0x0];
	[tilespmem:s16+$0xC800] =	vst v14  }
0x21f: {  	v14 =	vld [tilespmem:s4+$0x0];
	[tilespmem:s15+$0xC800] =	vst v15  }
0x220: {  	v15 =	vshll.u32 v23, $0x3;
	v22 =	vld [tilespmem:s1+$0x0];
	[tilespmem:s7+$0xC800] =	vst v16  }
0x221: {  	v16 =	vand.u32 $0x7F, v23;
	v15 =	vand.u32 $0xFFFFFC00, v15;
	v12 =	vld.idx.msk [tilespmem:v12+s17+$0x0], $0xffff;
	[tilespmem:s25+$0x180] =	vst v17;
	v17 =	vor.u32 $0x380, v0;
	v0 =	vmovc v1  }
0x222: {  	p0 =	por !p0, !p0;
	s1 =	simm.s32 $0x1;
	v1 =	vor.u32 v16, v15;
	[tilespmem:s28+$0x180] =	vst v18;
	v15 =	vld.idx.msk [tilespmem:v19+s17+$0x0], $0xffff  }
0x223: {  	s1 =	simm.s32 @!p0 $0x0;
	v16 =	vshll.u32 v20, $0x3;
	v18 =	vld.idx.msk [tilespmem:v21+s17+$0x0], $0xffff;
	[tilespmem:s26+$0x180] =	vst v13  }
0x224: {  	s1 =	sshll.u32 s1, $0x6;
	v13 =	vand.u32 $0x7F, v20;
	v16 =	vand.u32 $0xFFFFFC00, v16;
	v19 =	vld.idx.msk [tilespmem:v11+s17+$0x0], $0xffff;
	v11 =	vor.u32 $0x280, v2  }
0x225: {  	s24 =	sadd.s32 s1, s2;
	v20 =	vshll.u32 v14, $0x3;
	v21 =	vshll.u32 v22, $0x3;
	v16 =	vor.u32 v13, v16;
	v23 =	vld.idx.msk [tilespmem:v3+s17+$0x0], $0xffff;
	v3 =	vmovc v10  }
0x226: {  	s7 =	sadd.s32 $0x10, s24;
	s25 =	sadd.s32 $0x20, s24;
	s9 =	sadd.s32 $0x30, s24;
	v10 =	vand.u32 $0x7F, v14;
	v13 =	vand.u32 $0xFFFFFC00, v20;
	v14 =	vand.u32 $0xFFFFFC00, v21;
	v17 =	vld.idx.msk [tilespmem:v17+s17+$0x0], $0xffff  }
0x227: {  	s26 =	sor.u32 $0x200, s7;
	s11 =	sor.u32 $0x200, s9;
	v10 =	vor.u32 v10, v13;
	v13 =	vand.u32 $0x7F, v22;
	v21 =	vor.u32 $0x280, v0;
	v20 =	vld.idx.msk [tilespmem:v1+s17+$0x0], $0xffff;
	[tilespmem:s13+$0x180] =	vst v12;
	s13 =	sor.u32 $0x200, s25  }
0x228: {  	s12 =	sor.u32 $0x200, s24;
	s4 =	sor.u32 $0x280, s7;
	s1 =	sor.u32 $0x280, s25;
	v22 =	vor.u32 $0x80, v10;
	v24 =	vor.u32 $0x100, v10;
	v14 =	vor.u32 v13, v14;
	v25 =	vld.idx.msk [tilespmem:v9+s17+$0x0], $0xffff;
	[tilespmem:s11+$0xC800] =	vst v15  }
0x229: {  	s16 =	sor.u32 $0x300, s25;
	v13 =	vor.u32 $0x180, v10;
	v15 =	vor.u32 $0x80, v14;
	v26 =	vor.u32 $0x100, v14;
	s11 =	sor.u32 $0x300, s7;
	[tilespmem:s12+$0xC800] =	vst v18;
	s12 =	sor.u32 $0x280, s24;
	v18 =	vld.idx.msk [tilespmem:v11+s17+$0x0], $0xffff  }
0x22a: {  	s15 =	sor.u32 $0x300, s24;
	s25 =	sor.u32 $0x380, s25;
	v12 =	vor.u32 $0x180, v14;
	v9 =	vor.u32 $0x200, v14;
	s7 =	sor.u32 $0x380, s7;
	v11 =	vor.u32 $0x200, v10;
	v27 =	vld.idx.msk [tilespmem:v16+s17+$0x0], $0xffff;
	[tilespmem:s26+$0xC800] =	vst v19  }
0x22b: {  	v29 =	vor.u32 $0x300, v2;
	s24 =	sor.u32 $0x380, s24;
	v19 =	vor.u32 $0x280, v14;
	v28 =	vld.idx.msk [tilespmem:v8+s17+$0x0], $0xffff;
	v8 =	vor.u32 $0x280, v10;
	[tilespmem:s8+$0xC800] =	vst v23;
	s8 =	smov.u32 s25  }
0x22c: {  	s2 =	sadd.s32 $0x200, s2;
	v32 =	vor.u32 $0x80, v16;
	v30 =	vor.u32 $0x300, v10;
	v31 =	vor.u32 $0x300, v14;
	v23 =	vld.idx.msk [tilespmem:v10+s17+$0x0], $0xffff;
	[tilespmem:s3+$0xC800] =	vst v17;
	s3 =	smov.u32 s24  }
0x22d: {  	v33 =	vor.u32 $0x380, v10;
	s24 =	sand.u32 $0x3C00, s2;
	v17 =	vor.u32 $0x80, v1;
	v10 =	vor.u32 $0x380, v14;
	v34 =	vld.idx.msk [tilespmem:v14+s17+$0x0], $0xffff  }
0x22e: {  	s28 =	sor.u32 $0x280, s9;
	s24 =	sadd.s32 $0xC800, s24;
	v35 =	vld.idx.msk [tilespmem:v21+s17+$0x0], $0xffff;
	[tilespmem:s13+$0xC800] =	vst v25  }
0x22f: {  	s26 =	sor.u32 s6, s24;
	s13 =	sor.u32 s10, s24;
	s25 =	sor.u32 s23, s24;
	v14 =	vld.idx.msk [tilespmem:v7+s17+$0x0], $0xffff;
	[tilespmem:s28+$0xC800] =	vst v18;
	v7 =	vmov v19  }
0x230: {  	s28 =	sor.u32 s21, s24;
	[tilespmem:s25+$0x0] =	vst v27;
	v18 =	vld.idx.msk [tilespmem:v29+s17+$0x0], $0xffff  }
0x231: {  	[tilespmem:s28+$0x0] =	vst v20;
	v19 =	vld.idx.msk [tilespmem:v32+s17+$0x0], $0xffff  }
0x232: {  	v20 =	vor.u32 $0x380, v2;
	v2 =	vmov v16;
	v17 =	vld.idx.msk [tilespmem:v17+s17+$0x0], $0xffff;
	[tilespmem:s26+$0x0] =	vst v23  }
0x233: {  	v21 =	vor.u32 $0x100, v2;
	v16 =	vld.idx.msk [tilespmem:v22+s17+$0x0], $0xffff;
	[tilespmem:s13+$0x0] =	vst v34  }
0x234: {  	v22 =	vor.u32 $0x100, v1;
	v15 =	vld.idx.msk [tilespmem:v15+s17+$0x0], $0xffff;
	[tilespmem:s4+$0xC800] =	vst v28  }
0x235: {  	v23 =	vld.idx.msk [tilespmem:v6+s17+$0x0], $0xffff;
	[tilespmem:s1+$0xC800] =	vst v14;
	s1 =	sor.u32 $0x300, s9;
	v6 =	vmov v30  }
0x236: {  	v14 =	vld.idx.msk [tilespmem:v5+s17+$0x0], $0xffff;
	[tilespmem:s1+$0xC800] =	vst v18;
	v5 =	vmov v31  }
0x237: {  	v25 =	vor.u32 $0x300, v0;
	[tilespmem:s25+$0x80] =	vst v19;
	v27 =	vld.idx.msk [tilespmem:v20+s17+$0x0], $0xffff  }
0x238: {  	[tilespmem:s28+$0x80] =	vst v17;
	v18 =	vld.idx.msk [tilespmem:v21+s17+$0x0], $0xffff  }
.Ltmp4:
0x239: {  	v17 =	vld.idx.msk [tilespmem:v22+s17+$0x0], $0xffff;
	[tilespmem:s26+$0x80] =	vst v16;
	(pc) =	sbr.rel @p1 .LBB2_10-.Ltmp4, $4  }
0x23a: {  	v22 =	vor.u32 $0x180, v2;
	v19 =	vld.idx.msk [tilespmem:v24+s17+$0x0], $0xffff;
	[tilespmem:s13+$0x80] =	vst v15  }
0x23b: {  	v21 =	vor.u32 $0x180, v1;
	v20 =	vld.idx.msk [tilespmem:v26+s17+$0x0], $0xffff;
	[tilespmem:s12+$0xC800] =	vst v35  }
0x23c: {  	s1 =	sor.u32 $0x380, s9;
	v15 =	vld.idx.msk [tilespmem:v25+s17+$0x0], $0xffff;
	[tilespmem:s11+$0xC800] =	vst v23  }
0x23d: {  	s14 =	sadd.s32 $0x40, s14;
	v16 =	vld.idx.msk [tilespmem:v4+s17+$0x0], $0xffff;
	[tilespmem:s1+$0xC800] =	vst v27;
	v4 =	vmov v33  }
0x23e: {  	_ =	sdelay $0x2  }
0x23f: {  	[tilespmem:s25+$0x100] =	vst v18  }
0x240: {  	v18 =	vld.idx.msk [tilespmem:v22+s17+$0x0], $0xffff;
	[tilespmem:s26+$0x100] =	vst v19  }
0x241: {  	[tilespmem:s28+$0x100] =	vst v17;
	v19 =	vor.u32 $0x200, v2;
	v13 =	vld.idx.msk [tilespmem:v13+s17+$0x0], $0xffff  }
0x242: {  	v17 =	vld.idx.msk [tilespmem:v21+s17+$0x0], $0xffff;
	[tilespmem:s13+$0x100] =	vst v20  }
0x243: {  	v20 =	vor.u32 $0x200, v1;
	v12 =	vld.idx.msk [tilespmem:v12+s17+$0x0], $0xffff;
	_ =	sdelay $0x1  }
0x244: {  	p0 =	por !p0, !p0;
	s0 =	simm.s32 $0x1;
	[tilespmem:s25+$0x180] =	vst v18  }
0x245: {  	s0 =	simm.s32 @!p0 $0x0;
	v18 =	vld.idx.msk [tilespmem:v19+s17+$0x0], $0xffff;
	[tilespmem:s26+$0x180] =	vst v13  }
0x246: {  	s0 =	sshll.u32 s0, $0x6;
	[tilespmem:s28+$0x180] =	vst v17;
	v13 =	vor.u32 $0x280, v2;
	v11 =	vld.idx.msk [tilespmem:v11+s17+$0x0], $0xffff  }
0x247: {  	s0 =	sadd.s32 s0, s2;
	[tilespmem:s13+$0x180] =	vst v12;
	v12 =	vld.idx.msk [tilespmem:v20+s17+$0x0], $0xffff  }
0x248: {  	s1 =	sadd.s32 $0x30, s0;
	v17 =	vor.u32 $0x280, v1;
	v9 =	vld.idx.msk [tilespmem:v9+s17+$0x0], $0xffff  }
0x249: {  	s2 =	sadd.s32 $0x10, s0;
	s4 =	sor.u32 $0x200, s1  }
0x24a: {  	s9 =	sor.u32 $0x200, s2;
	[tilespmem:s4+$0xC800] =	vst v18  }
0x24b: {  	s6 =	sadd.s32 $0x20, s0;
	s12 =	sor.u32 $0x200, s0;
	v13 =	vld.idx.msk [tilespmem:v13+s17+$0x0], $0xffff;
	[tilespmem:s9+$0xC800] =	vst v11  }
0x24c: {  	s11 =	sor.u32 $0x200, s6;
	v11 =	vor.u32 $0x300, v2;
	[tilespmem:s12+$0xC800] =	vst v12;
	v8 =	vld.idx.msk [tilespmem:v8+s17+$0x0], $0xffff  }
0x24d: {  	[tilespmem:s11+$0xC800] =	vst v9;
	v9 =	vld.idx.msk [tilespmem:v17+s17+$0x0], $0xffff  }
0x24e: {  	v12 =	vor.u32 $0x300, v1;
	v7 =	vld.idx.msk [tilespmem:v7+s17+$0x0], $0xffff  }
0x24f: {  	[tilespmem:s16+$0xC800] =	vst v14;
	s13 =	sor.u32 $0x280, s1  }
0x250: {  	s14 =	sor.u32 $0x280, s2;
	[tilespmem:s13+$0xC800] =	vst v13  }
0x251: {  	v0 =	vor.u32 $0x380, v0;
	s21 =	sor.u32 $0x280, s0;
	v11 =	vld.idx.msk [tilespmem:v11+s17+$0x0], $0xffff;
	[tilespmem:s14+$0xC800] =	vst v8  }
0x252: {  	s16 =	sor.u32 $0x280, s6;
	v2 =	vor.u32 $0x380, v2;
	[tilespmem:s21+$0xC800] =	vst v9;
	v6 =	vld.idx.msk [tilespmem:v6+s17+$0x0], $0xffff  }
0x253: {  	[tilespmem:s16+$0xC800] =	vst v7;
	v7 =	vld.idx.msk [tilespmem:v12+s17+$0x0], $0xffff  }
0x254: {  	[tilespmem:s15+$0xC800] =	vst v15;
	v1 =	vor.u32 $0x380, v1;
	v5 =	vld.idx.msk [tilespmem:v5+s17+$0x0], $0xffff  }
0x255: {  	v3 =	vld.idx.msk [tilespmem:v3+s17+$0x0], $0xffff;
	[tilespmem:s7+$0xC800] =	vst v16;
	s23 =	sor.u32 $0x300, s1  }
0x256: {  	v0 =	vld.idx.msk [tilespmem:v0+s17+$0x0], $0xffff;
	s24 =	sor.u32 $0x300, s2;
	[tilespmem:s23+$0xC800] =	vst v11  }
0x257: {  	s26 =	sor.u32 $0x300, s0;
	v2 =	vld.idx.msk [tilespmem:v2+s17+$0x0], $0xffff;
	[tilespmem:s24+$0xC800] =	vst v6  }
0x258: {  	s25 =	sor.u32 $0x300, s6;
	[tilespmem:s26+$0xC800] =	vst v7;
	v4 =	vld.idx.msk [tilespmem:v4+s17+$0x0], $0xffff  }
0x259: {  	[tilespmem:s25+$0xC800] =	vst v5;
	v1 =	vld.idx.msk [tilespmem:v1+s17+$0x0], $0xffff  }
0x25a: {  	[tilespmem:s8+$0xC800] =	vst v3;
	v5 =	vld.idx.msk [tilespmem:v10+s17+$0x0], $0xffff  }
0x25b: {  	s1 =	sor.u32 $0x380, s1;
	[tilespmem:s3+$0xC800] =	vst v0  }
0x25c: {  	s2 =	sor.u32 $0x380, s2;
	[tilespmem:s1+$0xC800] =	vst v2  }
0x25d: {  	s0 =	sor.u32 $0x380, s0;
	[tilespmem:s2+$0xC800] =	vst v4  }
0x25e: {  	s31 =	sor.u32 $0x380, s6;
	[tilespmem:s0+$0xC800] =	vst v1  }
0x25f: {  	[tilespmem:s31+$0xC800] =	vst v5  }
0x260: {  	s3 =	simm.s32 $0x0;
	s4 =	simm.s32 $0xC800;
	s1 =	rddreg [dreg:$0xb]  }
0x261: {  	[hbm4b:s1+s3] =	stream.linear.scatter [tilespmem:s4], [sflag:$0x4], $0x4000, $0x38;
	[tilespmem:$0x18800] =	vst v63  }
0x262: {  	_ =	swait.ge [sflag:s22], $0x4000  }
0x263: {  	[sflag:s22] =	ssyncset.done $0x0  }
0x264: {  	s30 =	simm.s32 $0x5;
	s6 =	simm.s32 $0x0;
	[sflag:s22] =	ssyncadd.s32 $0xFFFFC000  }
0x265: {  	s7 =	sand.u32 $0x40, s6;
	_ =	swait.ge [sflag:s30], $0x4000  }
0x266: {  	s8 =	sor.u32 $0x30, s7;
	s1 =	sand.u32 $0x780, s6;
	[sflag:s30] =	ssyncset.done $0x0  }
0x267: {  	s9 =	sor.u32 s8, s1;
	[sflag:s30] =	ssyncadd.s32 $0xFFFFC000  }
0x268: {  	v0 =	vld [tilespmem:s9+$0x0]  }
0x269: {  	s10 =	sor.u32 $0x10, s7;
	v1 =	vld [tilespmem:s3+$0x0]  }
0x26a: {  	s12 =	sor.u32 $0x20, s7;
	s11 =	sor.u32 s10, s1  }
0x26b: {  	s1 =	sor.u32 s12, s1;
	v2 =	vld [tilespmem:s11+$0x0]  }
0x26c: {  	v3 =	vld [tilespmem:s1+$0x0]  }
0x26d: {  	v4 =	vshll.u32 v0, $0x3  }
0x26e: {  	v5 =	vshll.u32 v1, $0x3;
	v0 =	vand.u32 $0x7F, v0;
	v4 =	vand.u32 $0xFFFFFC00, v4  }
0x26f: {  	v1 =	vand.u32 $0x7F, v1;
	v6 =	vand.u32 $0xFFFFFC00, v5;
	v5 =	vor.u32 v0, v4  }
0x270: {  	v0 =	vor.u32 v1, v6;
	v1 =	vshll.u32 v2, $0x3  }
0x271: {  	v4 =	vshll.u32 v3, $0x3;
	v2 =	vand.u32 $0x7F, v2;
	v1 =	vand.u32 $0xFFFFFC00, v1  }
0x272: {  	v6 =	vand.u32 $0xFFFFFC00, v4;
	v4 =	vor.u32 v2, v1;
	v1 =	vand.u32 $0x7F, v3  }
0x273: {  	v3 =	vor.u32 v1, v6  }
0x274: {  	v1 =	vld.idx.msk [tilespmem:v5+s18+$0x0], $0xffff  }
0x275: {  	v6 =	vor.u32 $0x80, v5;
	v2 =	vld.idx.msk [tilespmem:v0+s18+$0x0], $0xffff  }
0x276: {  	s0 =	sand.u32 $0x3C00, s3;
	v7 =	vor.u32 $0x80, v0  }
0x277: {  	s0 =	sadd.s32 $0x10800, s0;
	v8 =	vld.idx.msk [tilespmem:v4+s18+$0x0], $0xffff  }
0x278: {  	s3 =	sor.u32 s8, s0;
	v9 =	vor.u32 $0x80, v4;
	v10 =	vld.idx.msk [tilespmem:v3+s18+$0x0], $0xffff  }
0x279: {  	s2 =	sor.u32 s7, s0;
	v11 =	vor.u32 $0x80, v3;
	[tilespmem:s3+$0x0] =	vst v1  }
0x27a: {  	[tilespmem:s2+$0x0] =	vst v2;
	v1 =	vld.idx.msk [tilespmem:v6+s18+$0x0], $0xffff  }
0x27b: {  	s4 =	sor.u32 s10, s0;
	v2 =	vld.idx.msk [tilespmem:v7+s18+$0x0], $0xffff;
	v6 =	vor.u32 $0x100, v5  }
0x27c: {  	s13 =	sor.u32 s12, s0;
	v7 =	vor.u32 $0x100, v0;
	[tilespmem:s4+$0x0] =	vst v8  }
0x27d: {  	v8 =	vld.idx.msk [tilespmem:v9+s18+$0x0], $0xffff;
	[tilespmem:s13+$0x0] =	vst v10  }
0x27e: {  	v9 =	vor.u32 $0x100, v4;
	v10 =	vld.idx.msk [tilespmem:v11+s18+$0x0], $0xffff  }
0x27f: {  	v11 =	vor.u32 $0x100, v3;
	[tilespmem:s3+$0x80] =	vst v1  }
0x280: {  	[tilespmem:s2+$0x80] =	vst v2;
	v1 =	vld.idx.msk [tilespmem:v6+s18+$0x0], $0xffff  }
0x281: {  	v2 =	vld.idx.msk [tilespmem:v7+s18+$0x0], $0xffff;
	v6 =	vor.u32 $0x180, v5  }
0x282: {  	v7 =	vor.u32 $0x180, v0;
	[tilespmem:s4+$0x80] =	vst v8  }
0x283: {  	v8 =	vld.idx.msk [tilespmem:v9+s18+$0x0], $0xffff;
	[tilespmem:s13+$0x80] =	vst v10  }
0x284: {  	s14 =	simm.s32 $0x40;
	s0 =	simm.s32 $0x40;
	v9 =	vor.u32 $0x180, v4;
	v10 =	vld.idx.msk [tilespmem:v11+s18+$0x0], $0xffff  }
0x285: {  	s15 =	sand.u32 $0x40, s0;
	v11 =	vld [tilespmem:s14+$0x0];
	[tilespmem:s3+$0x100] =	vst v1  }
0x286: {  	s16 =	sand.u32 $0x780, s0;
	s11 =	sor.u32 $0x30, s15;
	[tilespmem:s2+$0x100] =	vst v2;
	v1 =	vld.idx.msk [tilespmem:v6+s18+$0x0], $0xffff  }
0x287: {  	s21 =	sor.u32 s11, s16;
	v2 =	vor.u32 $0x180, v3;
	v6 =	vld.idx.msk [tilespmem:v7+s18+$0x0], $0xffff  }
0x288: {  	s23 =	sor.u32 $0x10, s15;
	v7 =	vor.u32 $0x200, v5;
	[tilespmem:s4+$0x100] =	vst v8;
	v8 =	vld [tilespmem:s21+$0x0]  }
0x289: {  	s24 =	sor.u32 $0x20, s15;
	s10 =	sor.u32 s23, s16;
	v9 =	vld.idx.msk [tilespmem:v9+s18+$0x0], $0xffff  }
0x28a: {  	s6 =	sor.u32 s24, s16;
	v13 =	vld [tilespmem:s10+$0x0];
	v12 =	vor.u32 $0x200, v4;
	v14 =	vshll.u32 v11, $0x3  }
0x28b: {  	v15 =	vld [tilespmem:s6+$0x0];
	[tilespmem:s13+$0x100] =	vst v10;
	v10 =	vor.u32 $0x200, v0;
	v11 =	vand.u32 $0x7F, v11;
	v14 =	vand.u32 $0xFFFFFC00, v14  }
0x28c: {  	p0 =	por $0x0, $0x0;
	v16 =	vld.idx.msk [tilespmem:v2+s18+$0x0], $0xffff;
	[tilespmem:s3+$0x180] =	vst v1;
	v1 =	vor.u32 v11, v14;
	s3 =	simm.s32 $0x1  }
0x28d: {  	v11 =	vor.u32 $0x200, v3;
	v7 =	vld.idx.msk [tilespmem:v7+s18+$0x0], $0xffff;
	v2 =	vshll.u32 v8, $0x3;
	s3 =	simm.s32 @!p0 $0x0  }
0x28e: {  	v8 =	vand.u32 $0x7F, v8;
	[tilespmem:s4+$0x180] =	vst v9;
	v2 =	vand.u32 $0xFFFFFC00, v2;
	s3 =	sshll.u32 s3, $0x6;
	v9 =	vor.u32 $0x280, v5  }
0x28f: {  	v14 =	vor.u32 $0x280, v4;
	[tilespmem:s2+$0x180] =	vst v6;
	v6 =	vld.idx.msk [tilespmem:v12+s18+$0x0], $0xffff;
	v12 =	vshll.u32 v13, $0x3;
	v2 =	vor.u32 v8, v2;
	s3 =	sadd.s32 $0x0, s3  }
0x290: {  	v8 =	vld.idx.msk [tilespmem:v10+s18+$0x0], $0xffff;
	v10 =	vshll.u32 v15, $0x3;
	v13 =	vand.u32 $0x7F, v13;
	v12 =	vand.u32 $0xFFFFFC00, v12;
	s6 =	sadd.s32 $0x30, s3  }
0x291: {  	v10 =	vand.u32 $0xFFFFFC00, v10;
	[tilespmem:s13+$0x180] =	vst v16;
	v17 =	vld.idx.msk [tilespmem:v1+s18+$0x0], $0xffff;
	v21 =	vor.u32 v13, v12;
	v12 =	vand.u32 $0x7F, v15;
	s25 =	sor.u32 $0x200, s6  }
0x292: {  	s10 =	sadd.s32 $0x10, s3;
	v11 =	vld.idx.msk [tilespmem:v11+s18+$0x0], $0xffff;
	v10 =	vor.u32 v12, v10;
	[tilespmem:s25+$0x10800] =	vst v7  }
0x293: {  	s26 =	sor.u32 $0x200, s10;
	v7 =	vor.u32 $0x280, v0;
	v9 =	vld.idx.msk [tilespmem:v9+s18+$0x0], $0xffff  }
0x294: {  	s2 =	simm.s32 $0x200;
	s31 =	sor.u32 $0x200, s3;
	v12 =	vor.u32 $0x280, v3;
	v13 =	vld.idx.msk [tilespmem:v2+s18+$0x0], $0xffff;
	[tilespmem:s26+$0x10800] =	vst v6  }
0x295: {  	s1 =	sadd.s32 $0x20, s3;
	s13 =	sand.u32 $0x3C00, s2;
	[tilespmem:s31+$0x10800] =	vst v8;
	v8 =	vor.u32 $0x80, v1;
	v6 =	vld.idx.msk [tilespmem:v14+s18+$0x0], $0xffff  }
0x296: {  	s12 =	sor.u32 $0x200, s1;
	s4 =	sadd.s32 $0x10800, s13;
	v14 =	vor.u32 $0x300, v5;
	v15 =	vld.idx.msk [tilespmem:v21+s18+$0x0], $0xffff  }
0x297: {  	v16 =	vor.u32 $0x80, v2;
	s28 =	sor.u32 s15, s4;
	[tilespmem:s12+$0x10800] =	vst v11;
	v18 =	vld.idx.msk [tilespmem:v10+s18+$0x0], $0xffff  }
0x298: {  	s14 =	sor.u32 $0x280, s6;
	v19 =	vor.u32 $0x80, v21;
	[tilespmem:s28+$0x0] =	vst v17;
	v22 =	vld.idx.msk [tilespmem:v7+s18+$0x0], $0xffff  }
0x299: {  	s25 =	sor.u32 s11, s4;
	v7 =	vor.u32 $0x80, v10;
	v11 =	vld.idx.msk [tilespmem:v12+s18+$0x0], $0xffff;
	[tilespmem:s14+$0x10800] =	vst v9  }
0x29a: {  	s15 =	sor.u32 $0x280, s10;
	v9 =	vor.u32 $0x300, v4;
	[tilespmem:s25+$0x0] =	vst v13;
	v8 =	vld.idx.msk [tilespmem:v8+s18+$0x0], $0xffff  }
0x29b: {  	s26 =	sor.u32 s23, s4;
	v13 =	vor.u32 $0x300, v3;
	v12 =	vld.idx.msk [tilespmem:v14+s18+$0x0], $0xffff;
	[tilespmem:s15+$0x10800] =	vst v6  }
0x29c: {  	s13 =	sor.u32 s24, s4;
	v5 =	vor.u32 $0x380, v5;
	v16 =	vld.idx.msk [tilespmem:v16+s18+$0x0], $0xffff;
	[tilespmem:s26+$0x0] =	vst v15  }
0x29d: {  	s16 =	sor.u32 $0x280, s1;
	v17 =	vor.u32 $0x100, v2;
	v15 =	vld.idx.msk [tilespmem:v19+s18+$0x0], $0xffff;
	[tilespmem:s13+$0x0] =	vst v18  }
0x29e: {  	s23 =	sor.u32 $0x280, s3;
	v19 =	vor.u32 $0x100, v1;
	[tilespmem:s16+$0x10800] =	vst v11;
	v7 =	vld.idx.msk [tilespmem:v7+s18+$0x0], $0xffff  }
0x29f: {  	s21 =	sor.u32 $0x300, s6;
	v6 =	vor.u32 $0x100, v21;
	[tilespmem:s23+$0x10800] =	vst v22;
	v23 =	vld.idx.msk [tilespmem:v9+s18+$0x0], $0xffff  }
0x2a0: {  	v20 =	vor.u32 $0x100, v10;
	v14 =	vld.idx.msk [tilespmem:v13+s18+$0x0], $0xffff;
	[tilespmem:s21+$0x10800] =	vst v12  }
0x2a1: {  	[tilespmem:s25+$0x80] =	vst v16;
	v16 =	vor.u32 $0x300, v0;
	v24 =	vld.idx.msk [tilespmem:v5+s18+$0x0], $0xffff  }
0x2a2: {  	v25 =	vor.u32 $0x380, v4;
	[tilespmem:s28+$0x80] =	vst v8;
	v18 =	vld.idx.msk [tilespmem:v17+s18+$0x0], $0xffff  }
0x2a3: {  	v4 =	vor.u32 $0x380, v21;
	v17 =	vld.idx.msk [tilespmem:v19+s18+$0x0], $0xffff;
	[tilespmem:s26+$0x80] =	vst v15  }
0x2a4: {  	v11 =	vor.u32 $0x200, v21;
	v22 =	vor.u32 $0x180, v2;
	v13 =	vor.u32 $0x180, v21;
	v19 =	vld.idx.msk [tilespmem:v6+s18+$0x0], $0xffff;
	[tilespmem:s13+$0x80] =	vst v7  }
0x2a5: {  	s7 =	sor.u32 $0x380, s10;
	s24 =	sor.u32 $0x300, s10;
	v8 =	vor.u32 $0x280, v21;
	v6 =	vor.u32 $0x300, v21;
	v21 =	vor.u32 $0x180, v1;
	v20 =	vld.idx.msk [tilespmem:v20+s18+$0x0], $0xffff  }
0x2a6: {  	s8 =	sor.u32 $0x380, s1;
	s31 =	sor.u32 $0x380, s6;
	s14 =	simm.s32 $0x80;
	v3 =	vor.u32 $0x380, v3;
	v9 =	vor.u32 $0x200, v10;
	v12 =	vor.u32 $0x180, v10;
	[tilespmem:s24+$0x10800] =	vst v23;
	v15 =	vld.idx.msk [tilespmem:v16+s18+$0x0], $0xffff  }
0x2a7: {  	s15 =	sor.u32 $0x300, s3;
	s3 =	sor.u32 $0x380, s3;
	s16 =	sor.u32 $0x300, s1;
	v5 =	vor.u32 $0x300, v10;
	v7 =	vor.u32 $0x280, v10;
	v10 =	vor.u32 $0x380, v10;
	v16 =	vld.idx.msk [tilespmem:v25+s18+$0x0], $0xffff;
	[tilespmem:s31+$0x10800] =	vst v24  }
.LBB2_12:
0x2a8: {  	s0 =	sadd.s32 $0x40, s0;
	v23 =	vld [tilespmem:s14+$0x0];
	[tilespmem:s25+$0x100] =	vst v18  }
0x2a9: {  	s21 =	sand.u32 $0x40, s0;
	p1 =	slt.u32 s0, $0x7C0;
	[tilespmem:s28+$0x100] =	vst v17;
	v17 =	vld.idx.msk [tilespmem:v22+s18+$0x0], $0xffff  }
0x2aa: {  	s1 =	sand.u32 $0x780, s0;
	s6 =	sor.u32 $0x10, s21;
	s23 =	sor.u32 $0x30, s21;
	v18 =	vld.idx.msk [tilespmem:v21+s18+$0x0], $0xffff;
	[tilespmem:s26+$0x100] =	vst v19  }
0x2ab: {  	s10 =	sor.u32 $0x20, s21;
	v19 =	vor.u32 $0x200, v2;
	s4 =	sor.u32 s6, s1;
	s9 =	sor.u32 s23, s1;
	v13 =	vld.idx.msk [tilespmem:v13+s18+$0x0], $0xffff;
	[tilespmem:s13+$0x100] =	vst v20  }
0x2ac: {  	v21 =	vor.u32 $0x200, v1;
	s1 =	sor.u32 s10, s1;
	v20 =	vld [tilespmem:s9+$0x0];
	[tilespmem:s16+$0x10800] =	vst v14  }
0x2ad: {  	v14 =	vld [tilespmem:s4+$0x0];
	[tilespmem:s15+$0x10800] =	vst v15  }
0x2ae: {  	v15 =	vshll.u32 v23, $0x3;
	v22 =	vld [tilespmem:s1+$0x0];
	[tilespmem:s7+$0x10800] =	vst v16  }
0x2af: {  	v16 =	vand.u32 $0x7F, v23;
	v15 =	vand.u32 $0xFFFFFC00, v15;
	v12 =	vld.idx.msk [tilespmem:v12+s18+$0x0], $0xffff;
	[tilespmem:s25+$0x180] =	vst v17;
	v17 =	vor.u32 $0x380, v0;
	v0 =	vmovc v1  }
0x2b0: {  	p0 =	por !p0, !p0;
	s1 =	simm.s32 $0x1;
	v1 =	vor.u32 v16, v15;
	[tilespmem:s28+$0x180] =	vst v18;
	v15 =	vld.idx.msk [tilespmem:v19+s18+$0x0], $0xffff  }
0x2b1: {  	s1 =	simm.s32 @!p0 $0x0;
	v16 =	vshll.u32 v20, $0x3;
	v18 =	vld.idx.msk [tilespmem:v21+s18+$0x0], $0xffff;
	[tilespmem:s26+$0x180] =	vst v13  }
0x2b2: {  	s1 =	sshll.u32 s1, $0x6;
	v13 =	vand.u32 $0x7F, v20;
	v16 =	vand.u32 $0xFFFFFC00, v16;
	v19 =	vld.idx.msk [tilespmem:v11+s18+$0x0], $0xffff;
	v11 =	vor.u32 $0x280, v2  }
0x2b3: {  	s24 =	sadd.s32 s1, s2;
	v20 =	vshll.u32 v14, $0x3;
	v21 =	vshll.u32 v22, $0x3;
	v16 =	vor.u32 v13, v16;
	v23 =	vld.idx.msk [tilespmem:v3+s18+$0x0], $0xffff;
	v3 =	vmovc v10  }
0x2b4: {  	s7 =	sadd.s32 $0x10, s24;
	s25 =	sadd.s32 $0x20, s24;
	s9 =	sadd.s32 $0x30, s24;
	v10 =	vand.u32 $0x7F, v14;
	v13 =	vand.u32 $0xFFFFFC00, v20;
	v14 =	vand.u32 $0xFFFFFC00, v21;
	v17 =	vld.idx.msk [tilespmem:v17+s18+$0x0], $0xffff  }
0x2b5: {  	s26 =	sor.u32 $0x200, s7;
	s11 =	sor.u32 $0x200, s9;
	v10 =	vor.u32 v10, v13;
	v13 =	vand.u32 $0x7F, v22;
	v21 =	vor.u32 $0x280, v0;
	v20 =	vld.idx.msk [tilespmem:v1+s18+$0x0], $0xffff;
	[tilespmem:s13+$0x180] =	vst v12;
	s13 =	sor.u32 $0x200, s25  }
0x2b6: {  	s12 =	sor.u32 $0x200, s24;
	s4 =	sor.u32 $0x280, s7;
	s1 =	sor.u32 $0x280, s25;
	v22 =	vor.u32 $0x80, v10;
	v24 =	vor.u32 $0x100, v10;
	v14 =	vor.u32 v13, v14;
	v25 =	vld.idx.msk [tilespmem:v9+s18+$0x0], $0xffff;
	[tilespmem:s11+$0x10800] =	vst v15  }
0x2b7: {  	s16 =	sor.u32 $0x300, s25;
	v13 =	vor.u32 $0x180, v10;
	v15 =	vor.u32 $0x80, v14;
	v26 =	vor.u32 $0x100, v14;
	s11 =	sor.u32 $0x300, s7;
	[tilespmem:s12+$0x10800] =	vst v18;
	s12 =	sor.u32 $0x280, s24;
	v18 =	vld.idx.msk [tilespmem:v11+s18+$0x0], $0xffff  }
0x2b8: {  	s15 =	sor.u32 $0x300, s24;
	s25 =	sor.u32 $0x380, s25;
	v12 =	vor.u32 $0x180, v14;
	v9 =	vor.u32 $0x200, v14;
	s7 =	sor.u32 $0x380, s7;
	v11 =	vor.u32 $0x200, v10;
	v27 =	vld.idx.msk [tilespmem:v16+s18+$0x0], $0xffff;
	[tilespmem:s26+$0x10800] =	vst v19  }
0x2b9: {  	v29 =	vor.u32 $0x300, v2;
	s24 =	sor.u32 $0x380, s24;
	v19 =	vor.u32 $0x280, v14;
	v28 =	vld.idx.msk [tilespmem:v8+s18+$0x0], $0xffff;
	v8 =	vor.u32 $0x280, v10;
	[tilespmem:s8+$0x10800] =	vst v23;
	s8 =	smov.u32 s25  }
0x2ba: {  	s2 =	sadd.s32 $0x200, s2;
	v32 =	vor.u32 $0x80, v16;
	v30 =	vor.u32 $0x300, v10;
	v31 =	vor.u32 $0x300, v14;
	v23 =	vld.idx.msk [tilespmem:v10+s18+$0x0], $0xffff;
	[tilespmem:s3+$0x10800] =	vst v17;
	s3 =	smov.u32 s24  }
0x2bb: {  	v33 =	vor.u32 $0x380, v10;
	s24 =	sand.u32 $0x3C00, s2;
	v17 =	vor.u32 $0x80, v1;
	v10 =	vor.u32 $0x380, v14;
	v34 =	vld.idx.msk [tilespmem:v14+s18+$0x0], $0xffff  }
0x2bc: {  	s28 =	sor.u32 $0x280, s9;
	s24 =	sadd.s32 $0x10800, s24;
	v35 =	vld.idx.msk [tilespmem:v21+s18+$0x0], $0xffff;
	[tilespmem:s13+$0x10800] =	vst v25  }
0x2bd: {  	s26 =	sor.u32 s6, s24;
	s13 =	sor.u32 s10, s24;
	s25 =	sor.u32 s23, s24;
	v14 =	vld.idx.msk [tilespmem:v7+s18+$0x0], $0xffff;
	[tilespmem:s28+$0x10800] =	vst v18;
	v7 =	vmov v19  }
0x2be: {  	s28 =	sor.u32 s21, s24;
	[tilespmem:s25+$0x0] =	vst v27;
	v18 =	vld.idx.msk [tilespmem:v29+s18+$0x0], $0xffff  }
0x2bf: {  	[tilespmem:s28+$0x0] =	vst v20;
	v19 =	vld.idx.msk [tilespmem:v32+s18+$0x0], $0xffff  }
0x2c0: {  	v20 =	vor.u32 $0x380, v2;
	v2 =	vmov v16;
	v17 =	vld.idx.msk [tilespmem:v17+s18+$0x0], $0xffff;
	[tilespmem:s26+$0x0] =	vst v23  }
0x2c1: {  	v21 =	vor.u32 $0x100, v2;
	v16 =	vld.idx.msk [tilespmem:v22+s18+$0x0], $0xffff;
	[tilespmem:s13+$0x0] =	vst v34  }
0x2c2: {  	v22 =	vor.u32 $0x100, v1;
	v15 =	vld.idx.msk [tilespmem:v15+s18+$0x0], $0xffff;
	[tilespmem:s4+$0x10800] =	vst v28  }
0x2c3: {  	v23 =	vld.idx.msk [tilespmem:v6+s18+$0x0], $0xffff;
	[tilespmem:s1+$0x10800] =	vst v14;
	s1 =	sor.u32 $0x300, s9;
	v6 =	vmov v30  }
0x2c4: {  	v14 =	vld.idx.msk [tilespmem:v5+s18+$0x0], $0xffff;
	[tilespmem:s1+$0x10800] =	vst v18;
	v5 =	vmov v31  }
0x2c5: {  	v25 =	vor.u32 $0x300, v0;
	[tilespmem:s25+$0x80] =	vst v19;
	v27 =	vld.idx.msk [tilespmem:v20+s18+$0x0], $0xffff  }
0x2c6: {  	[tilespmem:s28+$0x80] =	vst v17;
	v18 =	vld.idx.msk [tilespmem:v21+s18+$0x0], $0xffff  }
.Ltmp5:
0x2c7: {  	v17 =	vld.idx.msk [tilespmem:v22+s18+$0x0], $0xffff;
	[tilespmem:s26+$0x80] =	vst v16;
	(pc) =	sbr.rel @p1 .LBB2_12-.Ltmp5, $4  }
0x2c8: {  	v22 =	vor.u32 $0x180, v2;
	v19 =	vld.idx.msk [tilespmem:v24+s18+$0x0], $0xffff;
	[tilespmem:s13+$0x80] =	vst v15  }
0x2c9: {  	v21 =	vor.u32 $0x180, v1;
	v20 =	vld.idx.msk [tilespmem:v26+s18+$0x0], $0xffff;
	[tilespmem:s12+$0x10800] =	vst v35  }
0x2ca: {  	s1 =	sor.u32 $0x380, s9;
	v15 =	vld.idx.msk [tilespmem:v25+s18+$0x0], $0xffff;
	[tilespmem:s11+$0x10800] =	vst v23  }
0x2cb: {  	s14 =	sadd.s32 $0x40, s14;
	v16 =	vld.idx.msk [tilespmem:v4+s18+$0x0], $0xffff;
	[tilespmem:s1+$0x10800] =	vst v27;
	v4 =	vmov v33  }
0x2cc: {  	_ =	sdelay $0x2  }
0x2cd: {  	[tilespmem:s25+$0x100] =	vst v18  }
0x2ce: {  	[tilespmem:s28+$0x100] =	vst v17;
	v18 =	vld.idx.msk [tilespmem:v22+s18+$0x0], $0xffff  }
0x2cf: {  	v53 =	vor.u32 $0x200, v2;
	[tilespmem:s26+$0x100] =	vst v19;
	v17 =	vld.idx.msk [tilespmem:v21+s18+$0x0], $0xffff  }
0x2d0: {  	v54 =	vor.u32 $0x200, v1;
	v13 =	vld.idx.msk [tilespmem:v13+s18+$0x0], $0xffff;
	[tilespmem:s13+$0x100] =	vst v20  }
0x2d1: {  	v12 =	vld.idx.msk [tilespmem:v12+s18+$0x0], $0xffff;
	_ =	sdelay $0x1  }
0x2d2: {  	p0 =	por !p0, !p0;
	s0 =	simm.s32 $0x1;
	[tilespmem:s25+$0x180] =	vst v18  }
0x2d3: {  	s0 =	simm.s32 @!p0 $0x0;
	[tilespmem:s28+$0x180] =	vst v17;
	v18 =	vld.idx.msk [tilespmem:v53+s18+$0x0], $0xffff  }
0x2d4: {  	v55 =	vor.u32 $0x280, v2;
	s0 =	sshll.u32 s0, $0x6;
	[tilespmem:s26+$0x180] =	vst v13;
	v56 =	vld.idx.msk [tilespmem:v54+s18+$0x0], $0xffff  }
0x2d5: {  	v57 =	vor.u32 $0x280, v1;
	s0 =	sadd.s32 s0, s2;
	v11 =	vld.idx.msk [tilespmem:v11+s18+$0x0], $0xffff;
	[tilespmem:s13+$0x180] =	vst v12  }
0x2d6: {  	s1 =	sadd.s32 $0x30, s0;
	v9 =	vld.idx.msk [tilespmem:v9+s18+$0x0], $0xffff  }
0x2d7: {  	s4 =	sor.u32 $0x200, s1  }
0x2d8: {  	s2 =	sadd.s32 $0x10, s0;
	s10 =	sor.u32 $0x200, s0;
	[tilespmem:s4+$0x10800] =	vst v18  }
0x2d9: {  	s6 =	sadd.s32 $0x20, s0;
	s9 =	sor.u32 $0x200, s2;
	[tilespmem:s10+$0x10800] =	vst v56;
	v13 =	vld.idx.msk [tilespmem:v55+s18+$0x0], $0xffff  }
0x2da: {  	v58 =	vor.u32 $0x300, v2;
	s31 =	sor.u32 $0x200, s6;
	[tilespmem:s9+$0x10800] =	vst v11;
	v59 =	vld.idx.msk [tilespmem:v57+s18+$0x0], $0xffff  }
0x2db: {  	v60 =	vor.u32 $0x300, v1;
	v8 =	vld.idx.msk [tilespmem:v8+s18+$0x0], $0xffff;
	[tilespmem:s31+$0x10800] =	vst v9  }
0x2dc: {  	v7 =	vld.idx.msk [tilespmem:v7+s18+$0x0], $0xffff  }
0x2dd: {  	[tilespmem:s16+$0x10800] =	vst v14;
	s11 =	sor.u32 $0x280, s1  }
0x2de: {  	s14 =	sor.u32 $0x280, s0;
	[tilespmem:s11+$0x10800] =	vst v13  }
0x2df: {  	v0 =	vor.u32 $0x380, v0;
	s12 =	sor.u32 $0x280, s2;
	[tilespmem:s14+$0x10800] =	vst v59;
	v11 =	vld.idx.msk [tilespmem:v58+s18+$0x0], $0xffff  }
0x2e0: {  	v61 =	vor.u32 $0x380, v2;
	s13 =	sor.u32 $0x280, s6;
	[tilespmem:s12+$0x10800] =	vst v8;
	v62 =	vld.idx.msk [tilespmem:v60+s18+$0x0], $0xffff  }
0x2e1: {  	v63 =	vor.u32 $0x380, v1;
	v6 =	vld.idx.msk [tilespmem:v6+s18+$0x0], $0xffff;
	[tilespmem:s13+$0x10800] =	vst v7  }
0x2e2: {  	[tilespmem:s15+$0x10800] =	vst v15;
	v5 =	vld.idx.msk [tilespmem:v5+s18+$0x0], $0xffff  }
0x2e3: {  	v3 =	vld.idx.msk [tilespmem:v3+s18+$0x0], $0xffff;
	[tilespmem:s7+$0x10800] =	vst v16;
	s16 =	sor.u32 $0x300, s1  }
0x2e4: {  	s24 =	sor.u32 $0x300, s0;
	v0 =	vld.idx.msk [tilespmem:v0+s18+$0x0], $0xffff;
	[tilespmem:s16+$0x10800] =	vst v11  }
0x2e5: {  	s21 =	sor.u32 $0x300, s2;
	[tilespmem:s24+$0x10800] =	vst v62;
	v2 =	vld.idx.msk [tilespmem:v61+s18+$0x0], $0xffff  }
0x2e6: {  	s23 =	sor.u32 $0x300, s6;
	[tilespmem:s21+$0x10800] =	vst v6;
	v1 =	vld.idx.msk [tilespmem:v63+s18+$0x0], $0xffff  }
0x2e7: {  	v4 =	vld.idx.msk [tilespmem:v4+s18+$0x0], $0xffff;
	[tilespmem:s23+$0x10800] =	vst v5  }
0x2e8: {  	[tilespmem:s8+$0x10800] =	vst v3;
	v5 =	vld.idx.msk [tilespmem:v10+s18+$0x0], $0xffff  }
0x2e9: {  	s1 =	sor.u32 $0x380, s1;
	[tilespmem:s3+$0x10800] =	vst v0  }
0x2ea: {  	s0 =	sor.u32 $0x380, s0;
	[tilespmem:s1+$0x10800] =	vst v2  }
0x2eb: {  	s2 =	sor.u32 $0x380, s2;
	[tilespmem:s0+$0x10800] =	vst v1  }
0x2ec: {  	s25 =	sor.u32 $0x380, s6;
	[tilespmem:s2+$0x10800] =	vst v4  }
0x2ed: {  	[tilespmem:s25+$0x10800] =	vst v5  }
0x2ee: {  	s28 =	simm.s32 $0x6;
	s26 =	simm.s32 $0x10800;
	s0 =	rddreg [dreg:$0xc]  }
0x2ef: {  	[hbm4b:s0+s5] =	stream.linear.scatter [tilespmem:s26], [sflag:$0x5], $0x4000, $0x38;
	[tilespmem:$0x18800] =	vst v63  }
0x2f0: {  	_ =	swait.ge [sflag:s28], $0x4000  }
0x2f1: {  	[sflag:s28] =	ssyncset.done $0x0  }
0x2f2: {  	[sflag:s28] =	ssyncadd.s32 $0xFFFFC000  }
0x2f3: {  	_ =	swait.ge [sflag:s29], $0x4000  }
0x2f4: {  	[sflag:s29] =	ssyncset.done $0x0  }
0x2f5: {  	[sflag:s29] =	ssyncadd.s32 $0xFFFFC000  }
0x2f6: {  	_ =	swait.ge [sflag:s30], $0x4000  }
0x2f7: {  	s29 =	rddreg [dreg:$0xe]  }
0x2f8: {  	s31 =	rddreg [dreg:$0xd];
	s1 =	sadd.s32 $0x1, s29  }
0x2f9: {  	p0 =	sne.s32 s1, s31  }
.Ltmp6:
0x2fa: {  	_ = 	snop;
	(pc) =	sbr.rel @p0 .LBB2_1-.Ltmp6, $3  }
0x2fb: {  	_ =	sdelay $0x1  }
0x2fc: {  	[sflag:s30] =	ssyncset.done $0x0  }
0x2fd: {  	[sflag:s30] =	ssyncadd.s32 $0xFFFFC000  }
0x2fe: {  	_ =	sfence.sel $0x180000  }
0x2ff: {  	[bflag:$0x0] =	sbarrier.arrive $0xFFFF  }
0x300: {  	_ =	strace $0x90000047  }
0x301: {  	s0 =	stileid.u32;
	[bflag:$0x2] =	sbarrier.arrive $0xFFFF  }
0x302: {  	p0 =	sne.s32 s0, $0x0;
	s0 =	rddreg [dreg:$0x3]  }
0x303: {  	s0 =	sadd.s32 @!p0 $0x100000, s0  }
0x304: {  	[sflag:s0] =	ssyncadd.tile.s32 @!p0 $0x1;
	_ =	shalt  }
.Lfunc_end2:
_tile_overlayer_lowered:
.L_overlay_start_2:
0x305: {  	(tag) =	ssettag $0x2  }
0x306: {  	s0 =	rddreg [dreg:$0x0];
	s2 =	stileid.u32  }
0x307: {  	s1 =	rddreg [dreg:$0x1];
	p0 =	sne.s32 s2, $0x0  }
0x308: {  	s3 =	rddreg [dreg:$0x2];
	[bflag:$0x3] =	sbarrier.arrive $0xFFFF;
	s2 =	simm.s32 @!p0 $0x1C07  }
0x309: {  	[timem:s3], [sflag:s2] =	dma.local @!p0 [hbm:s0], s1  }
0x30a: {  	s0 =	simm.s32 @!p0 $0x7  }
0x30b: {  	_ =	swait.ge @!p0 [sflag:s0], s1  }
0x30c: {  	s1 =	ssub.s32 @!p0 $0x0, s1;
	[sflag:s0] =	ssyncset.done @!p0 $0x0  }
0x30d: {  	[sflag:s0] =	ssyncadd.s32 @!p0 s1  }
0x30e: {  	[bflag:$0x3] =	sbarrier.arrive $0xFFFF  }
0x30f: {  	_ =	shalt  }

</sc_bundles>
